<compile_context>
chip_gen: v7x
topology: tpu7x:2x2x1
jax: 0.10.2.dev20260603
libtpu: 0.0.44.dev20260713+nightly
codegen_flags: <defaults>
</compile_context>

<pallas_src>
import functools

import jax
import jax.numpy as jnp
from jax import lax
from jax.experimental import pallas as pl
from jax.experimental.pallas import tpu as pltpu
from jax.experimental.pallas import tpu_sc as plsc

NC = 2
NS = 16
NW = NC * NS
L = 16
CHUNK = 128

_N = 10000
_E = 320000
_D_HID = 16

N_PAD = 10112
RPS = N_PAD // NS
EPW = ((_E + NW * CHUNK - 1) // (NW * CHUNK)) * CHUNK
CHUNKS = EPW // CHUNK
NPAIRS = CHUNKS // 2
E_PAD = EPW * NW



_ZC = RPS // CHUNK
_ZR = RPS - _ZC * CHUNK


def _zero_acc_slice(rows_v, acc_sh, base):
  def zbody(i, carry):
    rows_v[i] = jnp.zeros((L,), jnp.float32)
    return carry
  lax.fori_loop(0, CHUNK, zbody, 0)
  def zchunk(k, carry):
    pltpu.sync_copy(rows_v, acc_sh.at[pl.ds(base + k * CHUNK, CHUNK)])
    return carry
  lax.fori_loop(0, _ZC, zchunk, 0)
  pltpu.sync_copy(rows_v.at[pl.ds(0, _ZR)],
                  acc_sh.at[pl.ds(base + _ZC * CHUNK, _ZR)])


def _sc_agg_body(g_hbm, src_hbm, dst_hbm, out_hbm,
                 src_v, dst_v, rows0, g_sh, acc_sh, gsem0):
  c = lax.axis_index("c")
  s = lax.axis_index("s")
  wid = s * NC + c
  base = s * RPS

  _zero_acc_slice(rows0, acc_sh, base)
  pltpu.sync_copy(g_hbm.at[pl.ds(base, RPS)], g_sh.at[pl.ds(base, RPS)])
  pltpu.sync_copy(src_hbm.at[wid], src_v)
  pltpu.sync_copy(dst_hbm.at[wid], dst_v)
  plsc.subcore_barrier()

  def ebody(ci, carry):
    pltpu.async_copy(g_sh.at[src_v.at[ci]], rows0, gsem0).wait()
    pltpu.sync_copy(rows0, acc_sh.at[dst_v.at[ci]], add=True)
    return carry
  lax.fori_loop(0, CHUNKS, ebody, 0)

  plsc.subcore_barrier()
  pltpu.sync_copy(acc_sh.at[pl.ds(base, RPS)],
                  out_hbm.at[c, pl.ds(base, RPS)])


def _sc_deg_body(dst_hbm, out_hbm, dst_v, rows_v, acc_sh):
  c = lax.axis_index("c")
  s = lax.axis_index("s")
  wid = s * NC + c
  base = s * RPS

  _zero_acc_slice(rows_v, acc_sh, base)
  pltpu.sync_copy(dst_hbm.at[wid], dst_v)

  def obody(i, carry):
    rows_v[i] = jnp.ones((L,), jnp.float32)
    return carry
  lax.fori_loop(0, CHUNK, obody, 0)
  plsc.subcore_barrier()

  def ebody(ci, carry):
    pltpu.sync_copy(rows_v, acc_sh.at[dst_v.at[ci]], add=True)
    return carry
  lax.fori_loop(0, CHUNKS, ebody, 0)

  plsc.subcore_barrier()
  pltpu.sync_copy(acc_sh.at[pl.ds(base, RPS)],
                  out_hbm.at[c, pl.ds(base, RPS)])


@functools.cache
def _sc_kernels():
  mesh = plsc.VectorSubcoreMesh(
      core_axis_name="c", subcore_axis_name="s", num_cores=NC,
      num_subcores=NS)
  sc_agg = pl.kernel(
      _sc_agg_body,
      out_type=jax.ShapeDtypeStruct((NC, N_PAD, L), jnp.float32),
      mesh=mesh,
      scratch_types=[
          pltpu.VMEM((CHUNKS, CHUNK), jnp.int32),
          pltpu.VMEM((CHUNKS, CHUNK), jnp.int32),
          pltpu.VMEM((CHUNK, L), jnp.float32),
          pltpu.VMEM_SHARED((N_PAD, L), jnp.float32),
          pltpu.VMEM_SHARED((N_PAD, L), jnp.float32),
          pltpu.SemaphoreType.DMA,
      ],
  )
  sc_deg = pl.kernel(
      _sc_deg_body,
      out_type=jax.ShapeDtypeStruct((NC, N_PAD, L), jnp.float32),
      mesh=mesh,
      scratch_types=[
          pltpu.VMEM((CHUNKS, CHUNK), jnp.int32),
          pltpu.VMEM((CHUNK, L), jnp.float32),
          pltpu.VMEM_SHARED((N_PAD, L), jnp.float32),
      ],
  )
  return sc_agg, sc_deg



def _dinv(deg_ref):
  deg = deg_ref[0] + deg_ref[1] + 1.0
  return lax.rsqrt(deg)


def _tc_hidden_body(x_ref, w1_ref, deg_ref, g1_ref):
  h = jnp.dot(x_ref[...], w1_ref[...], preferred_element_type=jnp.float32)
  g1_ref[...] = h * _dinv(deg_ref)


def _tc_mid_body(p_ref, g1_ref, degt_ref, b1_ref, z_ref):
  dinv = _dinv(degt_ref)
  t = dinv * (p_ref[0] + p_ref[1] + g1_ref[...]) + b1_ref[...]
  z_ref[...] = jnp.maximum(t, 0.0) * dinv


def _tc_final_body(p_ref, z_ref, degt_ref, w2_ref, b2_ref, out_ref):
  dinv = _dinv(degt_ref)
  u = dinv * (p_ref[0] + p_ref[1] + z_ref[...])
  o = jnp.dot(u[:_N], w2_ref[...], preferred_element_type=jnp.float32)
  o = o + b2_ref[...]
  a = o[:, 0:1]
  b = o[:, 1:2]
  m = jnp.maximum(a, b)
  lse = m + jnp.log(jnp.exp(a - m) + jnp.exp(b - m))
  out_ref[...] = o - lse


_tc_hidden = pl.pallas_call(
    _tc_hidden_body,
    out_shape=jax.ShapeDtypeStruct((N_PAD, _D_HID), jnp.float32),
)

_tc_mid = pl.pallas_call(
    _tc_mid_body,
    out_shape=jax.ShapeDtypeStruct((N_PAD, _D_HID), jnp.float32),
)

_tc_final = pl.pallas_call(
    _tc_final_body,
    out_shape=jax.ShapeDtypeStruct((_N, 2), jnp.float32),
)


def kernel(x, edge_index, W1, b1, W2, b2):
  src = edge_index[0]
  dst = edge_index[1]
  pad_e = E_PAD - _E
  pad_ids = (_N + (jnp.arange(pad_e, dtype=jnp.int32) % L))
  src3 = jnp.concatenate([src, pad_ids]).reshape(NW, CHUNKS, CHUNK)
  dst3 = jnp.concatenate([dst, pad_ids]).reshape(NW, CHUNKS, CHUNK)
  x_pad = jnp.pad(x, ((0, N_PAD - _N), (0, 0)))

  sc_agg, sc_deg = _sc_kernels()
  deg16 = sc_deg(dst3)
  g1 = _tc_hidden(x_pad, W1, deg16)
  p1 = sc_agg(g1, src3, dst3)
  z = _tc_mid(p1, g1, deg16, b1.reshape(1, _D_HID))
  p2 = sc_agg(z, src3, dst3)
  out = _tc_final(p2, z, deg16, W2, b2.reshape(1, 2))
  return out

# --- scband reference (transcript-rebuilt; emitter-appended) ---
"""Pipeline reference for scband-gnn-22789096472662 (READ-ONLY COPY).

The authoritative reference and input builder live on the scoring server;
editing this copy changes nothing except your own understanding.
"""

import jax, jax.numpy as jnp
import numpy as np

N = 10000
E = 320000
D_IN = 128
D_HID = 16
D_OUT = 2


def setup_inputs(seed: int = 0) -> dict:
    key = jax.random.key(seed)
    k1, k2, k3, k4, k5, k6 = jax.random.split(key, 6)
    x = jax.random.normal(k1, (N, D_IN), dtype=jnp.float32)
    edge_index = jax.random.randint(k2, (2, E), 0, N, dtype=jnp.int32)
    # Glorot-style init for GCN weights
    W1 = jax.random.normal(k3, (D_IN, D_HID), dtype=jnp.float32) * (1.0 / np.sqrt(D_IN))
    b1 = jnp.zeros((D_HID,), dtype=jnp.float32)
    W2 = jax.random.normal(k4, (D_HID, D_OUT), dtype=jnp.float32) * (1.0 / np.sqrt(D_HID))
    b2 = jnp.zeros((D_OUT,), dtype=jnp.float32)
    return {"x": x, "edge_index": edge_index, "W1": W1, "b1": b1, "W2": W2, "b2": b2}


def _gcn_layer(x, edge_index, W, b):
    # GCNConv: out = D^{-1/2} (A + I) D^{-1/2} (X W) + b
    n = x.shape[0]
    src = edge_index[0]
    dst = edge_index[1]
    loop = jnp.arange(n, dtype=src.dtype)
    src = jnp.concatenate([src, loop])
    dst = jnp.concatenate([dst, loop])
    deg = jnp.zeros((n,), dtype=x.dtype).at[dst].add(1.0)
    dinv = jnp.where(deg > 0, jax.lax.rsqrt(jnp.maximum(deg, 1.0)), 0.0)
    norm = dinv[src] * dinv[dst]
    h = x @ W
    msg = h[src] * norm[:, None]
    out = jnp.zeros((n, W.shape[1]), dtype=x.dtype).at[dst].add(msg)
    return out + b


def reference(x, edge_index, W1, b1, W2, b2):
    h = _gcn_layer(x, edge_index, W1, b1)
    h = jax.nn.relu(h)
    out = _gcn_layer(h, edge_index, W2, b2)
    return jax.nn.log_softmax(out, axis=1)

if __name__ == "__main__":
    import jax
    _d = setup_inputs()
    print(jax.jit(kernel)(*tuple(_d.values())))

</pallas_src>

<mosaic_0001>
#map = affine_map<(d0, d1) -> (0, 0)>
#map1 = affine_map<(d0, d1) -> (0, 0, 0)>
module attributes {stable_mosaic.version = 14 : i64} {
  func.func @_sc_agg_body(%arg0: i32, %arg1: i32, %arg2: memref<10112x16xf32, #tpu.memory_space<hbm>>, %arg3: memref<32x79x128xi32, #tpu.memory_space<hbm>>, %arg4: memref<32x79x128xi32, #tpu.memory_space<hbm>>, %arg5: memref<2x10112x16xf32, #tpu.memory_space<hbm>>, %arg6: memref<79x128xi32, #tpu.memory_space<vmem>>, %arg7: memref<79x128xi32, #tpu.memory_space<vmem>>, %arg8: memref<128x16xf32, #tpu.memory_space<vmem>>, %arg9: memref<10112x16xf32, #tpu.memory_space<vmem_shared>>, %arg10: memref<10112x16xf32, #tpu.memory_space<vmem_shared>>, %arg11: memref<!tpu.dma_semaphore, #tpu.memory_space<semaphore_mem>>) attributes {dimension_semantics = [#tpu.dimension_semantics<core_parallel>, #tpu.dimension_semantics<subcore_parallel>], iteration_bounds = array<i64: 2, 16>, scalar_prefetch = 0 : i64, scratch_operands = 6 : i64, tpu.core_type = #tpu.core_type<sc_vector_subcore>, window_params = [{transform_indices = #map}, {transform_indices = #map1}, {transform_indices = #map1}, {transform_indices = #map1}]} {
    %mul3A = arith.constant 2 : i32
    %mul3A_0 = arith.muli %arg1, %mul3A : i32
    %add3A = arith.addi %mul3A_0, %arg0 : i32
    %mul3A_1 = arith.constant 632 : i32
    %mul3A_2 = arith.muli %arg1, %mul3A_1 : i32
    %scan3A = arith.constant 0 : i32
    %scan3A_3 = arith.constant 0 : i32
    %scan3A_4 = arith.constant 128 : i32
    %scan3A_5 = arith.addi %scan3A_3, %scan3A_4 : i32
    %scan3A_6 = arith.constant 1 : i32
    scf.for %scan3A_23 = %scan3A_3 to %scan3A_5 step %scan3A_6  : i32 {
      %broadcast_in_dim3A = arith.constant 0.000000e+00 : f32
      %broadcast_in_dim3A_24 = vector.broadcast %broadcast_in_dim3A : f32 to vector<16xf32>
      %swap3A = arith.index_cast %scan3A_23 : i32 to index
      %swap3A_25 = arith.constant 0 : index
      %swap3A_26 = tpu.vector_load %arg8[%swap3A, %swap3A_25] {strides = array<i32>} : memref<128x16xf32, #tpu.memory_space<vmem>>, vector<1x16xf32>,
      %swap3A_27 = vector.shape_cast %swap3A_26 : vector<1x16xf32> to vector<16xf32>
      %swap3A_28 = vector.shape_cast %broadcast_in_dim3A_24 : vector<16xf32> to vector<1x16xf32>
      tpu.vector_store %arg8[%swap3A, %swap3A_25], %swap3A_28 {strides = array<i32>} : memref<128x16xf32, #tpu.memory_space<vmem>>, vector<1x16xf32>,
    }
    %scan3A_7 = arith.constant 128 : i32
    %scan3A_8 = arith.constant 0 : i32
    %scan3A_9 = arith.constant 0 : i32
    %scan3A_10 = arith.constant 4 : i32
    %scan3A_11 = arith.addi %scan3A_9, %scan3A_10 : i32
    %scan3A_12 = arith.constant 1 : i32
    scf.for %scan3A_23 = %scan3A_9 to %scan3A_11 step %scan3A_12  : i32 {
      %mul3A_24 = arith.constant 128 : i32
      %mul3A_25 = arith.muli %scan3A_23, %mul3A_24 : i32
      %add3A_26 = arith.addi %mul3A_2, %mul3A_25 : i32
      "tpu.region"() ({
        %run_scoped3A = tpu.sem_alloc : memref<!tpu.dma_semaphore, #tpu.memory_space<semaphore_mem>>
        %dma_start3A = arith.constant 0 : i32
        %dma_start3A_27 = tpu.memref_slice %arg10[%add3A_26, %dma_start3A] : memref<10112x16xf32, #tpu.memory_space<vmem_shared>> -> memref<128x16xf32, #tpu.memory_space<vmem_shared>>
        %dma_start3A_28 = arith.constant 0 : i32
        %dma_start3A_29 = tpu.memref_slice %arg10[%add3A_26, %dma_start3A_28] : memref<10112x16xf32, #tpu.memory_space<vmem_shared>> -> memref<128x16xf32, #tpu.memory_space<vmem_shared>>
        tpu.enqueue_dma source(%arg8 : memref<128x16xf32, #tpu.memory_space<vmem>>) target(%dma_start3A_29 : memref<128x16xf32, #tpu.memory_space<vmem_shared>>) target_semaphore(%run_scoped3A : memref<!tpu.dma_semaphore, #tpu.memory_space<semaphore_mem>>)
        %dma_wait3A = arith.constant 0 : i32
        %dma_wait3A_30 = tpu.memref_slice %arg10[%add3A_26, %dma_wait3A] : memref<10112x16xf32, #tpu.memory_space<vmem_shared>> -> memref<128x16xf32, #tpu.memory_space<vmem_shared>>
        %dma_wait3A_31 = arith.constant 0 : i32
        %dma_wait3A_32 = tpu.memref_slice %arg10[%add3A_26, %dma_wait3A_31] : memref<10112x16xf32, #tpu.memory_space<vmem_shared>> -> memref<128x16xf32, #tpu.memory_space<vmem_shared>>
        tpu.wait_dma2 semaphore(%run_scoped3A : memref<!tpu.dma_semaphore, #tpu.memory_space<semaphore_mem>>) src(%arg8 : memref<128x16xf32, #tpu.memory_space<vmem>>) dst(%dma_wait3A_32 : memref<128x16xf32, #tpu.memory_space<vmem_shared>>)
        tpu.yield
      }) : () -> ()
    }
    %scan3A_13 = arith.constant 4 : i32
    %add3A_14 = arith.constant 512 : i32
    %add3A_15 = arith.addi %mul3A_2, %add3A_14 : i32
    "tpu.region"() ({
      %run_scoped3A = tpu.sem_alloc : memref<!tpu.dma_semaphore, #tpu.memory_space<semaphore_mem>>
      %dma_start3A = arith.constant 0 : i32
      %dma_start3A_23 = arith.constant 0 : i32
      %dma_start3A_24 = tpu.memref_slice %arg8[%dma_start3A, %dma_start3A_23] : memref<128x16xf32, #tpu.memory_space<vmem>> -> memref<120x16xf32, #tpu.memory_space<vmem>>
      %dma_start3A_25 = arith.constant 0 : i32
      %dma_start3A_26 = tpu.memref_slice %arg10[%add3A_15, %dma_start3A_25] : memref<10112x16xf32, #tpu.memory_space<vmem_shared>> -> memref<120x16xf32, #tpu.memory_space<vmem_shared>>
      %dma_start3A_27 = arith.constant 0 : i32
      %dma_start3A_28 = tpu.memref_slice %arg10[%add3A_15, %dma_start3A_27] : memref<10112x16xf32, #tpu.memory_space<vmem_shared>> -> memref<120x16xf32, #tpu.memory_space<vmem_shared>>
      %dma_start3A_29 = arith.constant 0 : i32
      %dma_start3A_30 = arith.constant 0 : i32
      %dma_start3A_31 = tpu.memref_slice %arg8[%dma_start3A_29, %dma_start3A_30] : memref<128x16xf32, #tpu.memory_space<vmem>> -> memref<120x16xf32, #tpu.memory_space<vmem>>
      tpu.enqueue_dma source(%dma_start3A_31 : memref<120x16xf32, #tpu.memory_space<vmem>>) target(%dma_start3A_28 : memref<120x16xf32, #tpu.memory_space<vmem_shared>>) target_semaphore(%run_scoped3A : memref<!tpu.dma_semaphore, #tpu.memory_space<semaphore_mem>>)
      %dma_wait3A = arith.constant 0 : i32
      %dma_wait3A_32 = arith.constant 0 : i32
      %dma_wait3A_33 = tpu.memref_slice %arg8[%dma_wait3A, %dma_wait3A_32] : memref<128x16xf32, #tpu.memory_space<vmem>> -> memref<120x16xf32, #tpu.memory_space<vmem>>
      %dma_wait3A_34 = arith.constant 0 : i32
      %dma_wait3A_35 = tpu.memref_slice %arg10[%add3A_15, %dma_wait3A_34] : memref<10112x16xf32, #tpu.memory_space<vmem_shared>> -> memref<120x16xf32, #tpu.memory_space<vmem_shared>>
      %dma_wait3A_36 = arith.constant 0 : i32
      %dma_wait3A_37 = tpu.memref_slice %arg10[%add3A_15, %dma_wait3A_36] : memref<10112x16xf32, #tpu.memory_space<vmem_shared>> -> memref<120x16xf32, #tpu.memory_space<vmem_shared>>
      %dma_wait3A_38 = arith.constant 0 : i32
      %dma_wait3A_39 = arith.constant 0 : i32
      %dma_wait3A_40 = tpu.memref_slice %arg8[%dma_wait3A_38, %dma_wait3A_39] : memref<128x16xf32, #tpu.memory_space<vmem>> -> memref<120x16xf32, #tpu.memory_space<vmem>>
      tpu.wait_dma2 semaphore(%run_scoped3A : memref<!tpu.dma_semaphore, #tpu.memory_space<semaphore_mem>>) src(%dma_wait3A_40 : memref<120x16xf32, #tpu.memory_space<vmem>>) dst(%dma_wait3A_37 : memref<120x16xf32, #tpu.memory_space<vmem_shared>>)
      tpu.yield
    }) : () -> ()
    "tpu.region"() ({
      %run_scoped3A = tpu.sem_alloc : memref<!tpu.dma_semaphore, #tpu.memory_space<semaphore_mem>>
      %dma_start3A = arith.constant 0 : i32
      %dma_start3A_23 = tpu.memref_slice %arg9[%mul3A_2, %dma_start3A] : memref<10112x16xf32, #tpu.memory_space<vmem_shared>> -> memref<632x16xf32, #tpu.memory_space<vmem_shared>>
      %dma_start3A_24 = arith.constant 0 : i32
      %dma_start3A_25 = tpu.memref_slice %arg2[%mul3A_2, %dma_start3A_24] : memref<10112x16xf32, #tpu.memory_space<hbm>> -> memref<632x16xf32, #tpu.memory_space<hbm>>
      tpu.enqueue_dma source(%dma_start3A_25 : memref<632x16xf32, #tpu.memory_space<hbm>>) target(%dma_start3A_23 : memref<632x16xf32, #tpu.memory_space<vmem_shared>>) target_semaphore(%run_scoped3A : memref<!tpu.dma_semaphore, #tpu.memory_space<semaphore_mem>>)
      %dma_wait3A = arith.constant 0 : i32
      %dma_wait3A_26 = tpu.memref_slice %arg9[%mul3A_2, %dma_wait3A] : memref<10112x16xf32, #tpu.memory_space<vmem_shared>> -> memref<632x16xf32, #tpu.memory_space<vmem_shared>>
      %dma_wait3A_27 = arith.constant 0 : i32
      %dma_wait3A_28 = tpu.memref_slice %arg2[%mul3A_2, %dma_wait3A_27] : memref<10112x16xf32, #tpu.memory_space<hbm>> -> memref<632x16xf32, #tpu.memory_space<hbm>>
      tpu.wait_dma2 semaphore(%run_scoped3A : memref<!tpu.dma_semaphore, #tpu.memory_space<semaphore_mem>>) src(%dma_wait3A_28 : memref<632x16xf32, #tpu.memory_space<hbm>>) dst(%dma_wait3A_26 : memref<632x16xf32, #tpu.memory_space<vmem_shared>>)
      tpu.yield
    }) : () -> ()
    "tpu.region"() ({
      %run_scoped3A = tpu.sem_alloc : memref<!tpu.dma_semaphore, #tpu.memory_space<semaphore_mem>>
      %dma_start3A = arith.constant 0 : i32
      %dma_start3A_23 = arith.constant 0 : i32
      %dma_start3A_24 = tpu.memref_slice %arg3[%add3A, %dma_start3A, %dma_start3A_23] : memref<32x79x128xi32, #tpu.memory_space<hbm>> -> memref<1x79x128xi32, #tpu.memory_space<hbm>>
      %dma_start3A_25 = tpu.memref_squeeze %dma_start3A_24 : memref<1x79x128xi32, #tpu.memory_space<hbm>> -> memref<79x128xi32, #tpu.memory_space<hbm>>
      %dma_start3A_26 = arith.constant 0 : i32
      %dma_start3A_27 = arith.constant 0 : i32
      %dma_start3A_28 = tpu.memref_slice %arg3[%add3A, %dma_start3A_26, %dma_start3A_27] : memref<32x79x128xi32, #tpu.memory_space<hbm>> -> memref<1x79x128xi32, #tpu.memory_space<hbm>>
      %dma_start3A_29 = tpu.memref_squeeze %dma_start3A_28 : memref<1x79x128xi32, #tpu.memory_space<hbm>> -> memref<79x128xi32, #tpu.memory_space<hbm>>
      tpu.enqueue_dma source(%dma_start3A_29 : memref<79x128xi32, #tpu.memory_space<hbm>>) target(%arg6 : memref<79x128xi32, #tpu.memory_space<vmem>>) target_semaphore(%run_scoped3A : memref<!tpu.dma_semaphore, #tpu.memory_space<semaphore_mem>>)
      %dma_wait3A = arith.constant 0 : i32
      %dma_wait3A_30 = arith.constant 0 : i32
      %dma_wait3A_31 = tpu.memref_slice %arg3[%add3A, %dma_wait3A, %dma_wait3A_30] : memref<32x79x128xi32, #tpu.memory_space<hbm>> -> memref<1x79x128xi32, #tpu.memory_space<hbm>>
      %dma_wait3A_32 = tpu.memref_squeeze %dma_wait3A_31 : memref<1x79x128xi32, #tpu.memory_space<hbm>> -> memref<79x128xi32, #tpu.memory_space<hbm>>
      %dma_wait3A_33 = arith.constant 0 : i32
      %dma_wait3A_34 = arith.constant 0 : i32
      %dma_wait3A_35 = tpu.memref_slice %arg3[%add3A, %dma_wait3A_33, %dma_wait3A_34] : memref<32x79x128xi32, #tpu.memory_space<hbm>> -> memref<1x79x128xi32, #tpu.memory_space<hbm>>
      %dma_wait3A_36 = tpu.memref_squeeze %dma_wait3A_35 : memref<1x79x128xi32, #tpu.memory_space<hbm>> -> memref<79x128xi32, #tpu.memory_space<hbm>>
      tpu.wait_dma2 semaphore(%run_scoped3A : memref<!tpu.dma_semaphore, #tpu.memory_space<semaphore_mem>>) src(%dma_wait3A_36 : memref<79x128xi32, #tpu.memory_space<hbm>>) dst(%arg6 : memref<79x128xi32, #tpu.memory_space<vmem>>)
      tpu.yield
    }) : () -> ()
    "tpu.region"() ({
      %run_scoped3A = tpu.sem_alloc : memref<!tpu.dma_semaphore, #tpu.memory_space<semaphore_mem>>
      %dma_start3A = arith.constant 0 : i32
      %dma_start3A_23 = arith.constant 0 : i32
      %dma_start3A_24 = tpu.memref_slice %arg4[%add3A, %dma_start3A, %dma_start3A_23] : memref<32x79x128xi32, #tpu.memory_space<hbm>> -> memref<1x79x128xi32, #tpu.memory_space<hbm>>
      %dma_start3A_25 = tpu.memref_squeeze %dma_start3A_24 : memref<1x79x128xi32, #tpu.memory_space<hbm>> -> memref<79x128xi32, #tpu.memory_space<hbm>>
      %dma_start3A_26 = arith.constant 0 : i32
      %dma_start3A_27 = arith.constant 0 : i32
      %dma_start3A_28 = tpu.memref_slice %arg4[%add3A, %dma_start3A_26, %dma_start3A_27] : memref<32x79x128xi32, #tpu.memory_space<hbm>> -> memref<1x79x128xi32, #tpu.memory_space<hbm>>
      %dma_start3A_29 = tpu.memref_squeeze %dma_start3A_28 : memref<1x79x128xi32, #tpu.memory_space<hbm>> -> memref<79x128xi32, #tpu.memory_space<hbm>>
      tpu.enqueue_dma source(%dma_start3A_29 : memref<79x128xi32, #tpu.memory_space<hbm>>) target(%arg7 : memref<79x128xi32, #tpu.memory_space<vmem>>) target_semaphore(%run_scoped3A : memref<!tpu.dma_semaphore, #tpu.memory_space<semaphore_mem>>)
      %dma_wait3A = arith.constant 0 : i32
      %dma_wait3A_30 = arith.constant 0 : i32
      %dma_wait3A_31 = tpu.memref_slice %arg4[%add3A, %dma_wait3A, %dma_wait3A_30] : memref<32x79x128xi32, #tpu.memory_space<hbm>> -> memref<1x79x128xi32, #tpu.memory_space<hbm>>
      %dma_wait3A_32 = tpu.memref_squeeze %dma_wait3A_31 : memref<1x79x128xi32, #tpu.memory_space<hbm>> -> memref<79x128xi32, #tpu.memory_space<hbm>>
      %dma_wait3A_33 = arith.constant 0 : i32
      %dma_wait3A_34 = arith.constant 0 : i32
      %dma_wait3A_35 = tpu.memref_slice %arg4[%add3A, %dma_wait3A_33, %dma_wait3A_34] : memref<32x79x128xi32, #tpu.memory_space<hbm>> -> memref<1x79x128xi32, #tpu.memory_space<hbm>>
      %dma_wait3A_36 = tpu.memref_squeeze %dma_wait3A_35 : memref<1x79x128xi32, #tpu.memory_space<hbm>> -> memref<79x128xi32, #tpu.memory_space<hbm>>
      tpu.wait_dma2 semaphore(%run_scoped3A : memref<!tpu.dma_semaphore, #tpu.memory_space<semaphore_mem>>) src(%dma_wait3A_36 : memref<79x128xi32, #tpu.memory_space<hbm>>) dst(%arg7 : memref<79x128xi32, #tpu.memory_space<vmem>>)
      tpu.yield
    }) : () -> ()
    %barrier3A = arith.constant 0 : index
    tpu.barrier barrier_id(%barrier3A)
    %scan3A_16 = arith.constant 0 : i32
    %scan3A_17 = arith.constant 0 : i32
    %scan3A_18 = arith.constant 79 : i32
    %scan3A_19 = arith.addi %scan3A_17, %scan3A_18 : i32
    %scan3A_20 = arith.constant 1 : i32
    scf.for %scan3A_23 = %scan3A_17 to %scan3A_19 step %scan3A_20  : i32 {
      %dma_start3A = arith.constant 0 : i32
      %dma_start3A_24 = tpu.memref_slice %arg6[%scan3A_23, %dma_start3A] : memref<79x128xi32, #tpu.memory_space<vmem>> -> memref<1x128xi32, #tpu.memory_space<vmem>>
      %dma_start3A_25 = tpu.memref_squeeze %dma_start3A_24 : memref<1x128xi32, #tpu.memory_space<vmem>> -> memref<128xi32, #tpu.memory_space<vmem>>
      %dma_start3A_26 = arith.constant 0 : i32
      %dma_start3A_27 = arith.constant 0 : i32
      %dma_start3A_28 = tpu.memref_slice %arg9[%dma_start3A_26, %dma_start3A_27] : memref<10112x16xf32, #tpu.memory_space<vmem_shared>> -> memref<10112x16xf32, #tpu.memory_space<vmem_shared>>
      tpu.enqueue_indirect_dma source(%dma_start3A_28 : memref<10112x16xf32, #tpu.memory_space<vmem_shared>>) target(%arg8 : memref<128x16xf32, #tpu.memory_space<vmem>>) offsets(%dma_start3A_25 : memref<128xi32, #tpu.memory_space<vmem>>) semaphore(%arg11 : memref<!tpu.dma_semaphore, #tpu.memory_space<semaphore_mem>>)
      %dma_wait3A = arith.constant 0 : i32
      %dma_wait3A_29 = tpu.memref_slice %arg6[%scan3A_23, %dma_wait3A] : memref<79x128xi32, #tpu.memory_space<vmem>> -> memref<1x128xi32, #tpu.memory_space<vmem>>
      %dma_wait3A_30 = tpu.memref_squeeze %dma_wait3A_29 : memref<1x128xi32, #tpu.memory_space<vmem>> -> memref<128xi32, #tpu.memory_space<vmem>>
      %dma_wait3A_31 = arith.constant 0 : i32
      %dma_wait3A_32 = arith.constant 0 : i32
      %dma_wait3A_33 = tpu.memref_slice %arg9[%dma_wait3A_31, %dma_wait3A_32] : memref<10112x16xf32, #tpu.memory_space<vmem_shared>> -> memref<10112x16xf32, #tpu.memory_space<vmem_shared>>
      tpu.wait_indirect_dma semaphore(%arg11 : memref<!tpu.dma_semaphore, #tpu.memory_space<semaphore_mem>>) src(%dma_wait3A_33 : memref<10112x16xf32, #tpu.memory_space<vmem_shared>>) dst(%arg8 : memref<128x16xf32, #tpu.memory_space<vmem>>)
      "tpu.region"() ({
        %run_scoped3A = tpu.sem_alloc : memref<!tpu.dma_semaphore, #tpu.memory_space<semaphore_mem>>
        %dma_start3A_34 = arith.constant 0 : i32
        %dma_start3A_35 = tpu.memref_slice %arg7[%scan3A_23, %dma_start3A_34] : memref<79x128xi32, #tpu.memory_space<vmem>> -> memref<1x128xi32, #tpu.memory_space<vmem>>
        %dma_start3A_36 = tpu.memref_squeeze %dma_start3A_35 : memref<1x128xi32, #tpu.memory_space<vmem>> -> memref<128xi32, #tpu.memory_space<vmem>>
        %dma_start3A_37 = arith.constant 0 : i32
        %dma_start3A_38 = arith.constant 0 : i32
        %dma_start3A_39 = tpu.memref_slice %arg10[%dma_start3A_37, %dma_start3A_38] : memref<10112x16xf32, #tpu.memory_space<vmem_shared>> -> memref<10112x16xf32, #tpu.memory_space<vmem_shared>>
        tpu.enqueue_indirect_dma source(%arg8 : memref<128x16xf32, #tpu.memory_space<vmem>>) target(%dma_start3A_39 : memref<10112x16xf32, #tpu.memory_space<vmem_shared>>) offsets(%dma_start3A_36 : memref<128xi32, #tpu.memory_space<vmem>>) semaphore(%run_scoped3A : memref<!tpu.dma_semaphore, #tpu.memory_space<semaphore_mem>>) {add = true}
        %dma_wait3A_40 = arith.constant 0 : i32
        %dma_wait3A_41 = tpu.memref_slice %arg7[%scan3A_23, %dma_wait3A_40] : memref<79x128xi32, #tpu.memory_space<vmem>> -> memref<1x128xi32, #tpu.memory_space<vmem>>
        %dma_wait3A_42 = tpu.memref_squeeze %dma_wait3A_41 : memref<1x128xi32, #tpu.memory_space<vmem>> -> memref<128xi32, #tpu.memory_space<vmem>>
        %dma_wait3A_43 = arith.constant 0 : i32
        %dma_wait3A_44 = arith.constant 0 : i32
        %dma_wait3A_45 = tpu.memref_slice %arg10[%dma_wait3A_43, %dma_wait3A_44] : memref<10112x16xf32, #tpu.memory_space<vmem_shared>> -> memref<10112x16xf32, #tpu.memory_space<vmem_shared>>
        tpu.wait_indirect_dma semaphore(%run_scoped3A : memref<!tpu.dma_semaphore, #tpu.memory_space<semaphore_mem>>) src(%arg8 : memref<128x16xf32, #tpu.memory_space<vmem>>) dst(%dma_wait3A_45 : memref<10112x16xf32, #tpu.memory_space<vmem_shared>>)
        tpu.yield
      }) : () -> ()
    }
    %scan3A_21 = arith.constant 79 : i32
    %barrier3A_22 = arith.constant 0 : index
    tpu.barrier barrier_id(%barrier3A_22)
    "tpu.region"() ({
      %run_scoped3A = tpu.sem_alloc : memref<!tpu.dma_semaphore, #tpu.memory_space<semaphore_mem>>
      %dma_start3A = arith.constant 0 : i32
      %dma_start3A_23 = tpu.memref_slice %arg5[%arg0, %mul3A_2, %dma_start3A] : memref<2x10112x16xf32, #tpu.memory_space<hbm>> -> memref<1x632x16xf32, #tpu.memory_space<hbm>>
      %dma_start3A_24 = tpu.memref_squeeze %dma_start3A_23 : memref<1x632x16xf32, #tpu.memory_space<hbm>> -> memref<632x16xf32, #tpu.memory_space<hbm>>
      %dma_start3A_25 = arith.constant 0 : i32
      %dma_start3A_26 = tpu.memref_slice %arg10[%mul3A_2, %dma_start3A_25] : memref<10112x16xf32, #tpu.memory_space<vmem_shared>> -> memref<632x16xf32, #tpu.memory_space<vmem_shared>>
      tpu.enqueue_dma source(%dma_start3A_26 : memref<632x16xf32, #tpu.memory_space<vmem_shared>>) target(%dma_start3A_24 : memref<632x16xf32, #tpu.memory_space<hbm>>) target_semaphore(%run_scoped3A : memref<!tpu.dma_semaphore, #tpu.memory_space<semaphore_mem>>)
      %dma_wait3A = arith.constant 0 : i32
      %dma_wait3A_27 = tpu.memref_slice %arg5[%arg0, %mul3A_2, %dma_wait3A] : memref<2x10112x16xf32, #tpu.memory_space<hbm>> -> memref<1x632x16xf32, #tpu.memory_space<hbm>>
      %dma_wait3A_28 = tpu.memref_squeeze %dma_wait3A_27 : memref<1x632x16xf32, #tpu.memory_space<hbm>> -> memref<632x16xf32, #tpu.memory_space<hbm>>
      %dma_wait3A_29 = arith.constant 0 : i32
      %dma_wait3A_30 = tpu.memref_slice %arg10[%mul3A_2, %dma_wait3A_29] : memref<10112x16xf32, #tpu.memory_space<vmem_shared>> -> memref<632x16xf32, #tpu.memory_space<vmem_shared>>
      tpu.wait_dma2 semaphore(%run_scoped3A : memref<!tpu.dma_semaphore, #tpu.memory_space<semaphore_mem>>) src(%dma_wait3A_30 : memref<632x16xf32, #tpu.memory_space<vmem_shared>>) dst(%dma_wait3A_28 : memref<632x16xf32, #tpu.memory_space<hbm>>)
      tpu.yield
    }) : () -> ()
    return
  }
}

#map = affine_map<(d0, d1) -> (0, 0, 0)>
module attributes {stable_mosaic.version = 14 : i64} {
  func.func @_sc_deg_body(%arg0: i32, %arg1: i32, %arg2: memref<32x79x128xi32, #tpu.memory_space<hbm>>, %arg3: memref<2x10112x16xf32, #tpu.memory_space<hbm>>, %arg4: memref<79x128xi32, #tpu.memory_space<vmem>>, %arg5: memref<128x16xf32, #tpu.memory_space<vmem>>, %arg6: memref<10112x16xf32, #tpu.memory_space<vmem_shared>>) attributes {dimension_semantics = [#tpu.dimension_semantics<core_parallel>, #tpu.dimension_semantics<subcore_parallel>], iteration_bounds = array<i64: 2, 16>, scalar_prefetch = 0 : i64, scratch_operands = 3 : i64, tpu.core_type = #tpu.core_type<sc_vector_subcore>, window_params = [{transform_indices = #map}, {transform_indices = #map}]} {
    %mul3A = arith.constant 2 : i32
    %mul3A_0 = arith.muli %arg1, %mul3A : i32
    %add3A = arith.addi %mul3A_0, %arg0 : i32
    %mul3A_1 = arith.constant 632 : i32
    %mul3A_2 = arith.muli %arg1, %mul3A_1 : i32
    %scan3A = arith.constant 0 : i32
    %scan3A_3 = arith.constant 0 : i32
    %scan3A_4 = arith.constant 128 : i32
    %scan3A_5 = arith.addi %scan3A_3, %scan3A_4 : i32
    %scan3A_6 = arith.constant 1 : i32
    scf.for %scan3A_29 = %scan3A_3 to %scan3A_5 step %scan3A_6  : i32 {
      %broadcast_in_dim3A = arith.constant 0.000000e+00 : f32
      %broadcast_in_dim3A_30 = vector.broadcast %broadcast_in_dim3A : f32 to vector<16xf32>
      %swap3A = arith.index_cast %scan3A_29 : i32 to index
      %swap3A_31 = arith.constant 0 : index
      %swap3A_32 = tpu.vector_load %arg5[%swap3A, %swap3A_31] {strides = array<i32>} : memref<128x16xf32, #tpu.memory_space<vmem>>, vector<1x16xf32>,
      %swap3A_33 = vector.shape_cast %swap3A_32 : vector<1x16xf32> to vector<16xf32>
      %swap3A_34 = vector.shape_cast %broadcast_in_dim3A_30 : vector<16xf32> to vector<1x16xf32>
      tpu.vector_store %arg5[%swap3A, %swap3A_31], %swap3A_34 {strides = array<i32>} : memref<128x16xf32, #tpu.memory_space<vmem>>, vector<1x16xf32>,
    }
    %scan3A_7 = arith.constant 128 : i32
    %scan3A_8 = arith.constant 0 : i32
    %scan3A_9 = arith.constant 0 : i32
    %scan3A_10 = arith.constant 4 : i32
    %scan3A_11 = arith.addi %scan3A_9, %scan3A_10 : i32
    %scan3A_12 = arith.constant 1 : i32
    scf.for %scan3A_29 = %scan3A_9 to %scan3A_11 step %scan3A_12  : i32 {
      %mul3A_30 = arith.constant 128 : i32
      %mul3A_31 = arith.muli %scan3A_29, %mul3A_30 : i32
      %add3A_32 = arith.addi %mul3A_2, %mul3A_31 : i32
      "tpu.region"() ({
        %run_scoped3A = tpu.sem_alloc : memref<!tpu.dma_semaphore, #tpu.memory_space<semaphore_mem>>
        %dma_start3A = arith.constant 0 : i32
        %dma_start3A_33 = tpu.memref_slice %arg6[%add3A_32, %dma_start3A] : memref<10112x16xf32, #tpu.memory_space<vmem_shared>> -> memref<128x16xf32, #tpu.memory_space<vmem_shared>>
        %dma_start3A_34 = arith.constant 0 : i32
        %dma_start3A_35 = tpu.memref_slice %arg6[%add3A_32, %dma_start3A_34] : memref<10112x16xf32, #tpu.memory_space<vmem_shared>> -> memref<128x16xf32, #tpu.memory_space<vmem_shared>>
        tpu.enqueue_dma source(%arg5 : memref<128x16xf32, #tpu.memory_space<vmem>>) target(%dma_start3A_35 : memref<128x16xf32, #tpu.memory_space<vmem_shared>>) target_semaphore(%run_scoped3A : memref<!tpu.dma_semaphore, #tpu.memory_space<semaphore_mem>>)
        %dma_wait3A = arith.constant 0 : i32
        %dma_wait3A_36 = tpu.memref_slice %arg6[%add3A_32, %dma_wait3A] : memref<10112x16xf32, #tpu.memory_space<vmem_shared>> -> memref<128x16xf32, #tpu.memory_space<vmem_shared>>
        %dma_wait3A_37 = arith.constant 0 : i32
        %dma_wait3A_38 = tpu.memref_slice %arg6[%add3A_32, %dma_wait3A_37] : memref<10112x16xf32, #tpu.memory_space<vmem_shared>> -> memref<128x16xf32, #tpu.memory_space<vmem_shared>>
        tpu.wait_dma2 semaphore(%run_scoped3A : memref<!tpu.dma_semaphore, #tpu.memory_space<semaphore_mem>>) src(%arg5 : memref<128x16xf32, #tpu.memory_space<vmem>>) dst(%dma_wait3A_38 : memref<128x16xf32, #tpu.memory_space<vmem_shared>>)
        tpu.yield
      }) : () -> ()
    }
    %scan3A_13 = arith.constant 4 : i32
    %add3A_14 = arith.constant 512 : i32
    %add3A_15 = arith.addi %mul3A_2, %add3A_14 : i32
    "tpu.region"() ({
      %run_scoped3A = tpu.sem_alloc : memref<!tpu.dma_semaphore, #tpu.memory_space<semaphore_mem>>
      %dma_start3A = arith.constant 0 : i32
      %dma_start3A_29 = arith.constant 0 : i32
      %dma_start3A_30 = tpu.memref_slice %arg5[%dma_start3A, %dma_start3A_29] : memref<128x16xf32, #tpu.memory_space<vmem>> -> memref<120x16xf32, #tpu.memory_space<vmem>>
      %dma_start3A_31 = arith.constant 0 : i32
      %dma_start3A_32 = tpu.memref_slice %arg6[%add3A_15, %dma_start3A_31] : memref<10112x16xf32, #tpu.memory_space<vmem_shared>> -> memref<120x16xf32, #tpu.memory_space<vmem_shared>>
      %dma_start3A_33 = arith.constant 0 : i32
      %dma_start3A_34 = tpu.memref_slice %arg6[%add3A_15, %dma_start3A_33] : memref<10112x16xf32, #tpu.memory_space<vmem_shared>> -> memref<120x16xf32, #tpu.memory_space<vmem_shared>>
      %dma_start3A_35 = arith.constant 0 : i32
      %dma_start3A_36 = arith.constant 0 : i32
      %dma_start3A_37 = tpu.memref_slice %arg5[%dma_start3A_35, %dma_start3A_36] : memref<128x16xf32, #tpu.memory_space<vmem>> -> memref<120x16xf32, #tpu.memory_space<vmem>>
      tpu.enqueue_dma source(%dma_start3A_37 : memref<120x16xf32, #tpu.memory_space<vmem>>) target(%dma_start3A_34 : memref<120x16xf32, #tpu.memory_space<vmem_shared>>) target_semaphore(%run_scoped3A : memref<!tpu.dma_semaphore, #tpu.memory_space<semaphore_mem>>)
      %dma_wait3A = arith.constant 0 : i32
      %dma_wait3A_38 = arith.constant 0 : i32
      %dma_wait3A_39 = tpu.memref_slice %arg5[%dma_wait3A, %dma_wait3A_38] : memref<128x16xf32, #tpu.memory_space<vmem>> -> memref<120x16xf32, #tpu.memory_space<vmem>>
      %dma_wait3A_40 = arith.constant 0 : i32
      %dma_wait3A_41 = tpu.memref_slice %arg6[%add3A_15, %dma_wait3A_40] : memref<10112x16xf32, #tpu.memory_space<vmem_shared>> -> memref<120x16xf32, #tpu.memory_space<vmem_shared>>
      %dma_wait3A_42 = arith.constant 0 : i32
      %dma_wait3A_43 = tpu.memref_slice %arg6[%add3A_15, %dma_wait3A_42] : memref<10112x16xf32, #tpu.memory_space<vmem_shared>> -> memref<120x16xf32, #tpu.memory_space<vmem_shared>>
      %dma_wait3A_44 = arith.constant 0 : i32
      %dma_wait3A_45 = arith.constant 0 : i32
      %dma_wait3A_46 = tpu.memref_slice %arg5[%dma_wait3A_44, %dma_wait3A_45] : memref<128x16xf32, #tpu.memory_space<vmem>> -> memref<120x16xf32, #tpu.memory_space<vmem>>
      tpu.wait_dma2 semaphore(%run_scoped3A : memref<!tpu.dma_semaphore, #tpu.memory_space<semaphore_mem>>) src(%dma_wait3A_46 : memref<120x16xf32, #tpu.memory_space<vmem>>) dst(%dma_wait3A_43 : memref<120x16xf32, #tpu.memory_space<vmem_shared>>)
      tpu.yield
    }) : () -> ()
    "tpu.region"() ({
      %run_scoped3A = tpu.sem_alloc : memref<!tpu.dma_semaphore, #tpu.memory_space<semaphore_mem>>
      %dma_start3A = arith.constant 0 : i32
      %dma_start3A_29 = arith.constant 0 : i32
      %dma_start3A_30 = tpu.memref_slice %arg2[%add3A, %dma_start3A, %dma_start3A_29] : memref<32x79x128xi32, #tpu.memory_space<hbm>> -> memref<1x79x128xi32, #tpu.memory_space<hbm>>
      %dma_start3A_31 = tpu.memref_squeeze %dma_start3A_30 : memref<1x79x128xi32, #tpu.memory_space<hbm>> -> memref<79x128xi32, #tpu.memory_space<hbm>>
      %dma_start3A_32 = arith.constant 0 : i32
      %dma_start3A_33 = arith.constant 0 : i32
      %dma_start3A_34 = tpu.memref_slice %arg2[%add3A, %dma_start3A_32, %dma_start3A_33] : memref<32x79x128xi32, #tpu.memory_space<hbm>> -> memref<1x79x128xi32, #tpu.memory_space<hbm>>
      %dma_start3A_35 = tpu.memref_squeeze %dma_start3A_34 : memref<1x79x128xi32, #tpu.memory_space<hbm>> -> memref<79x128xi32, #tpu.memory_space<hbm>>
      tpu.enqueue_dma source(%dma_start3A_35 : memref<79x128xi32, #tpu.memory_space<hbm>>) target(%arg4 : memref<79x128xi32, #tpu.memory_space<vmem>>) target_semaphore(%run_scoped3A : memref<!tpu.dma_semaphore, #tpu.memory_space<semaphore_mem>>)
      %dma_wait3A = arith.constant 0 : i32
      %dma_wait3A_36 = arith.constant 0 : i32
      %dma_wait3A_37 = tpu.memref_slice %arg2[%add3A, %dma_wait3A, %dma_wait3A_36] : memref<32x79x128xi32, #tpu.memory_space<hbm>> -> memref<1x79x128xi32, #tpu.memory_space<hbm>>
      %dma_wait3A_38 = tpu.memref_squeeze %dma_wait3A_37 : memref<1x79x128xi32, #tpu.memory_space<hbm>> -> memref<79x128xi32, #tpu.memory_space<hbm>>
      %dma_wait3A_39 = arith.constant 0 : i32
      %dma_wait3A_40 = arith.constant 0 : i32
      %dma_wait3A_41 = tpu.memref_slice %arg2[%add3A, %dma_wait3A_39, %dma_wait3A_40] : memref<32x79x128xi32, #tpu.memory_space<hbm>> -> memref<1x79x128xi32, #tpu.memory_space<hbm>>
      %dma_wait3A_42 = tpu.memref_squeeze %dma_wait3A_41 : memref<1x79x128xi32, #tpu.memory_space<hbm>> -> memref<79x128xi32, #tpu.memory_space<hbm>>
      tpu.wait_dma2 semaphore(%run_scoped3A : memref<!tpu.dma_semaphore, #tpu.memory_space<semaphore_mem>>) src(%dma_wait3A_42 : memref<79x128xi32, #tpu.memory_space<hbm>>) dst(%arg4 : memref<79x128xi32, #tpu.memory_space<vmem>>)
      tpu.yield
    }) : () -> ()
    %scan3A_16 = arith.constant 0 : i32
    %scan3A_17 = arith.constant 0 : i32
    %scan3A_18 = arith.constant 128 : i32
    %scan3A_19 = arith.addi %scan3A_17, %scan3A_18 : i32
    %scan3A_20 = arith.constant 1 : i32
    scf.for %scan3A_29 = %scan3A_17 to %scan3A_19 step %scan3A_20  : i32 {
      %broadcast_in_dim3A = arith.constant 1.000000e+00 : f32
      %broadcast_in_dim3A_30 = vector.broadcast %broadcast_in_dim3A : f32 to vector<16xf32>
      %swap3A = arith.index_cast %scan3A_29 : i32 to index
      %swap3A_31 = arith.constant 0 : index
      %swap3A_32 = tpu.vector_load %arg5[%swap3A, %swap3A_31] {strides = array<i32>} : memref<128x16xf32, #tpu.memory_space<vmem>>, vector<1x16xf32>,
      %swap3A_33 = vector.shape_cast %swap3A_32 : vector<1x16xf32> to vector<16xf32>
      %swap3A_34 = vector.shape_cast %broadcast_in_dim3A_30 : vector<16xf32> to vector<1x16xf32>
      tpu.vector_store %arg5[%swap3A, %swap3A_31], %swap3A_34 {strides = array<i32>} : memref<128x16xf32, #tpu.memory_space<vmem>>, vector<1x16xf32>,
    }
    %scan3A_21 = arith.constant 128 : i32
    %barrier3A = arith.constant 0 : index
    tpu.barrier barrier_id(%barrier3A)
    %scan3A_22 = arith.constant 0 : i32
    %scan3A_23 = arith.constant 0 : i32
    %scan3A_24 = arith.constant 79 : i32
    %scan3A_25 = arith.addi %scan3A_23, %scan3A_24 : i32
    %scan3A_26 = arith.constant 1 : i32
    scf.for %scan3A_29 = %scan3A_23 to %scan3A_25 step %scan3A_26  : i32 {
      "tpu.region"() ({
        %run_scoped3A = tpu.sem_alloc : memref<!tpu.dma_semaphore, #tpu.memory_space<semaphore_mem>>
        %dma_start3A = arith.constant 0 : i32
        %dma_start3A_30 = tpu.memref_slice %arg4[%scan3A_29, %dma_start3A] : memref<79x128xi32, #tpu.memory_space<vmem>> -> memref<1x128xi32, #tpu.memory_space<vmem>>
        %dma_start3A_31 = tpu.memref_squeeze %dma_start3A_30 : memref<1x128xi32, #tpu.memory_space<vmem>> -> memref<128xi32, #tpu.memory_space<vmem>>
        %dma_start3A_32 = arith.constant 0 : i32
        %dma_start3A_33 = arith.constant 0 : i32
        %dma_start3A_34 = tpu.memref_slice %arg6[%dma_start3A_32, %dma_start3A_33] : memref<10112x16xf32, #tpu.memory_space<vmem_shared>> -> memref<10112x16xf32, #tpu.memory_space<vmem_shared>>
        tpu.enqueue_indirect_dma source(%arg5 : memref<128x16xf32, #tpu.memory_space<vmem>>) target(%dma_start3A_34 : memref<10112x16xf32, #tpu.memory_space<vmem_shared>>) offsets(%dma_start3A_31 : memref<128xi32, #tpu.memory_space<vmem>>) semaphore(%run_scoped3A : memref<!tpu.dma_semaphore, #tpu.memory_space<semaphore_mem>>) {add = true}
        %dma_wait3A = arith.constant 0 : i32
        %dma_wait3A_35 = tpu.memref_slice %arg4[%scan3A_29, %dma_wait3A] : memref<79x128xi32, #tpu.memory_space<vmem>> -> memref<1x128xi32, #tpu.memory_space<vmem>>
        %dma_wait3A_36 = tpu.memref_squeeze %dma_wait3A_35 : memref<1x128xi32, #tpu.memory_space<vmem>> -> memref<128xi32, #tpu.memory_space<vmem>>
        %dma_wait3A_37 = arith.constant 0 : i32
        %dma_wait3A_38 = arith.constant 0 : i32
        %dma_wait3A_39 = tpu.memref_slice %arg6[%dma_wait3A_37, %dma_wait3A_38] : memref<10112x16xf32, #tpu.memory_space<vmem_shared>> -> memref<10112x16xf32, #tpu.memory_space<vmem_shared>>
        tpu.wait_indirect_dma semaphore(%run_scoped3A : memref<!tpu.dma_semaphore, #tpu.memory_space<semaphore_mem>>) src(%arg5 : memref<128x16xf32, #tpu.memory_space<vmem>>) dst(%dma_wait3A_39 : memref<10112x16xf32, #tpu.memory_space<vmem_shared>>)
        tpu.yield
      }) : () -> ()
    }
    %scan3A_27 = arith.constant 79 : i32
    %barrier3A_28 = arith.constant 0 : index
    tpu.barrier barrier_id(%barrier3A_28)
    "tpu.region"() ({
      %run_scoped3A = tpu.sem_alloc : memref<!tpu.dma_semaphore, #tpu.memory_space<semaphore_mem>>
      %dma_start3A = arith.constant 0 : i32
      %dma_start3A_29 = tpu.memref_slice %arg3[%arg0, %mul3A_2, %dma_start3A] : memref<2x10112x16xf32, #tpu.memory_space<hbm>> -> memref<1x632x16xf32, #tpu.memory_space<hbm>>
      %dma_start3A_30 = tpu.memref_squeeze %dma_start3A_29 : memref<1x632x16xf32, #tpu.memory_space<hbm>> -> memref<632x16xf32, #tpu.memory_space<hbm>>
      %dma_start3A_31 = arith.constant 0 : i32
      %dma_start3A_32 = tpu.memref_slice %arg6[%mul3A_2, %dma_start3A_31] : memref<10112x16xf32, #tpu.memory_space<vmem_shared>> -> memref<632x16xf32, #tpu.memory_space<vmem_shared>>
      tpu.enqueue_dma source(%dma_start3A_32 : memref<632x16xf32, #tpu.memory_space<vmem_shared>>) target(%dma_start3A_30 : memref<632x16xf32, #tpu.memory_space<hbm>>) target_semaphore(%run_scoped3A : memref<!tpu.dma_semaphore, #tpu.memory_space<semaphore_mem>>)
      %dma_wait3A = arith.constant 0 : i32
      %dma_wait3A_33 = tpu.memref_slice %arg3[%arg0, %mul3A_2, %dma_wait3A] : memref<2x10112x16xf32, #tpu.memory_space<hbm>> -> memref<1x632x16xf32, #tpu.memory_space<hbm>>
      %dma_wait3A_34 = tpu.memref_squeeze %dma_wait3A_33 : memref<1x632x16xf32, #tpu.memory_space<hbm>> -> memref<632x16xf32, #tpu.memory_space<hbm>>
      %dma_wait3A_35 = arith.constant 0 : i32
      %dma_wait3A_36 = tpu.memref_slice %arg6[%mul3A_2, %dma_wait3A_35] : memref<10112x16xf32, #tpu.memory_space<vmem_shared>> -> memref<632x16xf32, #tpu.memory_space<vmem_shared>>
      tpu.wait_dma2 semaphore(%run_scoped3A : memref<!tpu.dma_semaphore, #tpu.memory_space<semaphore_mem>>) src(%dma_wait3A_36 : memref<632x16xf32, #tpu.memory_space<vmem_shared>>) dst(%dma_wait3A_34 : memref<632x16xf32, #tpu.memory_space<hbm>>)
      tpu.yield
    }) : () -> ()
    return
  }
}

#map = affine_map<(d0, d1) -> (0, 0)>
#map1 = affine_map<(d0, d1) -> (0, 0, 0)>
module attributes {stable_mosaic.version = 14 : i64} {
  func.func @_sc_agg_body(%arg0: i32, %arg1: i32, %arg2: memref<10112x16xf32, #tpu.memory_space<hbm>>, %arg3: memref<32x79x128xi32, #tpu.memory_space<hbm>>, %arg4: memref<32x79x128xi32, #tpu.memory_space<hbm>>, %arg5: memref<2x10112x16xf32, #tpu.memory_space<hbm>>, %arg6: memref<79x128xi32, #tpu.memory_space<vmem>>, %arg7: memref<79x128xi32, #tpu.memory_space<vmem>>, %arg8: memref<128x16xf32, #tpu.memory_space<vmem>>, %arg9: memref<10112x16xf32, #tpu.memory_space<vmem_shared>>, %arg10: memref<10112x16xf32, #tpu.memory_space<vmem_shared>>, %arg11: memref<!tpu.dma_semaphore, #tpu.memory_space<semaphore_mem>>) attributes {dimension_semantics = [#tpu.dimension_semantics<core_parallel>, #tpu.dimension_semantics<subcore_parallel>], iteration_bounds = array<i64: 2, 16>, scalar_prefetch = 0 : i64, scratch_operands = 6 : i64, tpu.core_type = #tpu.core_type<sc_vector_subcore>, window_params = [{transform_indices = #map}, {transform_indices = #map1}, {transform_indices = #map1}, {transform_indices = #map1}]} {
    %mul3A = arith.constant 2 : i32
    %mul3A_0 = arith.muli %arg1, %mul3A : i32
    %add3A = arith.addi %mul3A_0, %arg0 : i32
    %mul3A_1 = arith.constant 632 : i32
    %mul3A_2 = arith.muli %arg1, %mul3A_1 : i32
    %scan3A = arith.constant 0 : i32
    %scan3A_3 = arith.constant 0 : i32
    %scan3A_4 = arith.constant 128 : i32
    %scan3A_5 = arith.addi %scan3A_3, %scan3A_4 : i32
    %scan3A_6 = arith.constant 1 : i32
    scf.for %scan3A_23 = %scan3A_3 to %scan3A_5 step %scan3A_6  : i32 {
      %broadcast_in_dim3A = arith.constant 0.000000e+00 : f32
      %broadcast_in_dim3A_24 = vector.broadcast %broadcast_in_dim3A : f32 to vector<16xf32>
      %swap3A = arith.index_cast %scan3A_23 : i32 to index
      %swap3A_25 = arith.constant 0 : index
      %swap3A_26 = tpu.vector_load %arg8[%swap3A, %swap3A_25] {strides = array<i32>} : memref<128x16xf32, #tpu.memory_space<vmem>>, vector<1x16xf32>,
      %swap3A_27 = vector.shape_cast %swap3A_26 : vector<1x16xf32> to vector<16xf32>
      %swap3A_28 = vector.shape_cast %broadcast_in_dim3A_24 : vector<16xf32> to vector<1x16xf32>
      tpu.vector_store %arg8[%swap3A, %swap3A_25], %swap3A_28 {strides = array<i32>} : memref<128x16xf32, #tpu.memory_space<vmem>>, vector<1x16xf32>,
    }
    %scan3A_7 = arith.constant 128 : i32
    %scan3A_8 = arith.constant 0 : i32
    %scan3A_9 = arith.constant 0 : i32
    %scan3A_10 = arith.constant 4 : i32
    %scan3A_11 = arith.addi %scan3A_9, %scan3A_10 : i32
    %scan3A_12 = arith.constant 1 : i32
    scf.for %scan3A_23 = %scan3A_9 to %scan3A_11 step %scan3A_12  : i32 {
      %mul3A_24 = arith.constant 128 : i32
      %mul3A_25 = arith.muli %scan3A_23, %mul3A_24 : i32
      %add3A_26 = arith.addi %mul3A_2, %mul3A_25 : i32
      "tpu.region"() ({
        %run_scoped3A = tpu.sem_alloc : memref<!tpu.dma_semaphore, #tpu.memory_space<semaphore_mem>>
        %dma_start3A = arith.constant 0 : i32
        %dma_start3A_27 = tpu.memref_slice %arg10[%add3A_26, %dma_start3A] : memref<10112x16xf32, #tpu.memory_space<vmem_shared>> -> memref<128x16xf32, #tpu.memory_space<vmem_shared>>
        %dma_start3A_28 = arith.constant 0 : i32
        %dma_start3A_29 = tpu.memref_slice %arg10[%add3A_26, %dma_start3A_28] : memref<10112x16xf32, #tpu.memory_space<vmem_shared>> -> memref<128x16xf32, #tpu.memory_space<vmem_shared>>
        tpu.enqueue_dma source(%arg8 : memref<128x16xf32, #tpu.memory_space<vmem>>) target(%dma_start3A_29 : memref<128x16xf32, #tpu.memory_space<vmem_shared>>) target_semaphore(%run_scoped3A : memref<!tpu.dma_semaphore, #tpu.memory_space<semaphore_mem>>)
        %dma_wait3A = arith.constant 0 : i32
        %dma_wait3A_30 = tpu.memref_slice %arg10[%add3A_26, %dma_wait3A] : memref<10112x16xf32, #tpu.memory_space<vmem_shared>> -> memref<128x16xf32, #tpu.memory_space<vmem_shared>>
        %dma_wait3A_31 = arith.constant 0 : i32
        %dma_wait3A_32 = tpu.memref_slice %arg10[%add3A_26, %dma_wait3A_31] : memref<10112x16xf32, #tpu.memory_space<vmem_shared>> -> memref<128x16xf32, #tpu.memory_space<vmem_shared>>
        tpu.wait_dma2 semaphore(%run_scoped3A : memref<!tpu.dma_semaphore, #tpu.memory_space<semaphore_mem>>) src(%arg8 : memref<128x16xf32, #tpu.memory_space<vmem>>) dst(%dma_wait3A_32 : memref<128x16xf32, #tpu.memory_space<vmem_shared>>)
        tpu.yield
      }) : () -> ()
    }
    %scan3A_13 = arith.constant 4 : i32
    %add3A_14 = arith.constant 512 : i32
    %add3A_15 = arith.addi %mul3A_2, %add3A_14 : i32
    "tpu.region"() ({
      %run_scoped3A = tpu.sem_alloc : memref<!tpu.dma_semaphore, #tpu.memory_space<semaphore_mem>>
      %dma_start3A = arith.constant 0 : i32
      %dma_start3A_23 = arith.constant 0 : i32
      %dma_start3A_24 = tpu.memref_slice %arg8[%dma_start3A, %dma_start3A_23] : memref<128x16xf32, #tpu.memory_space<vmem>> -> memref<120x16xf32, #tpu.memory_space<vmem>>
      %dma_start3A_25 = arith.constant 0 : i32
      %dma_start3A_26 = tpu.memref_slice %arg10[%add3A_15, %dma_start3A_25] : memref<10112x16xf32, #tpu.memory_space<vmem_shared>> -> memref<120x16xf32, #tpu.memory_space<vmem_shared>>
      %dma_start3A_27 = arith.constant 0 : i32
      %dma_start3A_28 = tpu.memref_slice %arg10[%add3A_15, %dma_start3A_27] : memref<10112x16xf32, #tpu.memory_space<vmem_shared>> -> memref<120x16xf32, #tpu.memory_space<vmem_shared>>
      %dma_start3A_29 = arith.constant 0 : i32
      %dma_start3A_30 = arith.constant 0 : i32
      %dma_start3A_31 = tpu.memref_slice %arg8[%dma_start3A_29, %dma_start3A_30] : memref<128x16xf32, #tpu.memory_space<vmem>> -> memref<120x16xf32, #tpu.memory_space<vmem>>
      tpu.enqueue_dma source(%dma_start3A_31 : memref<120x16xf32, #tpu.memory_space<vmem>>) target(%dma_start3A_28 : memref<120x16xf32, #tpu.memory_space<vmem_shared>>) target_semaphore(%run_scoped3A : memref<!tpu.dma_semaphore, #tpu.memory_space<semaphore_mem>>)
      %dma_wait3A = arith.constant 0 : i32
      %dma_wait3A_32 = arith.constant 0 : i32
      %dma_wait3A_33 = tpu.memref_slice %arg8[%dma_wait3A, %dma_wait3A_32] : memref<128x16xf32, #tpu.memory_space<vmem>> -> memref<120x16xf32, #tpu.memory_space<vmem>>
      %dma_wait3A_34 = arith.constant 0 : i32
      %dma_wait3A_35 = tpu.memref_slice %arg10[%add3A_15, %dma_wait3A_34] : memref<10112x16xf32, #tpu.memory_space<vmem_shared>> -> memref<120x16xf32, #tpu.memory_space<vmem_shared>>
      %dma_wait3A_36 = arith.constant 0 : i32
      %dma_wait3A_37 = tpu.memref_slice %arg10[%add3A_15, %dma_wait3A_36] : memref<10112x16xf32, #tpu.memory_space<vmem_shared>> -> memref<120x16xf32, #tpu.memory_space<vmem_shared>>
      %dma_wait3A_38 = arith.constant 0 : i32
      %dma_wait3A_39 = arith.constant 0 : i32
      %dma_wait3A_40 = tpu.memref_slice %arg8[%dma_wait3A_38, %dma_wait3A_39] : memref<128x16xf32, #tpu.memory_space<vmem>> -> memref<120x16xf32, #tpu.memory_space<vmem>>
      tpu.wait_dma2 semaphore(%run_scoped3A : memref<!tpu.dma_semaphore, #tpu.memory_space<semaphore_mem>>) src(%dma_wait3A_40 : memref<120x16xf32, #tpu.memory_space<vmem>>) dst(%dma_wait3A_37 : memref<120x16xf32, #tpu.memory_space<vmem_shared>>)
      tpu.yield
    }) : () -> ()
    "tpu.region"() ({
      %run_scoped3A = tpu.sem_alloc : memref<!tpu.dma_semaphore, #tpu.memory_space<semaphore_mem>>
      %dma_start3A = arith.constant 0 : i32
      %dma_start3A_23 = tpu.memref_slice %arg9[%mul3A_2, %dma_start3A] : memref<10112x16xf32, #tpu.memory_space<vmem_shared>> -> memref<632x16xf32, #tpu.memory_space<vmem_shared>>
      %dma_start3A_24 = arith.constant 0 : i32
      %dma_start3A_25 = tpu.memref_slice %arg2[%mul3A_2, %dma_start3A_24] : memref<10112x16xf32, #tpu.memory_space<hbm>> -> memref<632x16xf32, #tpu.memory_space<hbm>>
      tpu.enqueue_dma source(%dma_start3A_25 : memref<632x16xf32, #tpu.memory_space<hbm>>) target(%dma_start3A_23 : memref<632x16xf32, #tpu.memory_space<vmem_shared>>) target_semaphore(%run_scoped3A : memref<!tpu.dma_semaphore, #tpu.memory_space<semaphore_mem>>)
      %dma_wait3A = arith.constant 0 : i32
      %dma_wait3A_26 = tpu.memref_slice %arg9[%mul3A_2, %dma_wait3A] : memref<10112x16xf32, #tpu.memory_space<vmem_shared>> -> memref<632x16xf32, #tpu.memory_space<vmem_shared>>
      %dma_wait3A_27 = arith.constant 0 : i32
      %dma_wait3A_28 = tpu.memref_slice %arg2[%mul3A_2, %dma_wait3A_27] : memref<10112x16xf32, #tpu.memory_space<hbm>> -> memref<632x16xf32, #tpu.memory_space<hbm>>
      tpu.wait_dma2 semaphore(%run_scoped3A : memref<!tpu.dma_semaphore, #tpu.memory_space<semaphore_mem>>) src(%dma_wait3A_28 : memref<632x16xf32, #tpu.memory_space<hbm>>) dst(%dma_wait3A_26 : memref<632x16xf32, #tpu.memory_space<vmem_shared>>)
      tpu.yield
    }) : () -> ()
    "tpu.region"() ({
      %run_scoped3A = tpu.sem_alloc : memref<!tpu.dma_semaphore, #tpu.memory_space<semaphore_mem>>
      %dma_start3A = arith.constant 0 : i32
      %dma_start3A_23 = arith.constant 0 : i32
      %dma_start3A_24 = tpu.memref_slice %arg3[%add3A, %dma_start3A, %dma_start3A_23] : memref<32x79x128xi32, #tpu.memory_space<hbm>> -> memref<1x79x128xi32, #tpu.memory_space<hbm>>
      %dma_start3A_25 = tpu.memref_squeeze %dma_start3A_24 : memref<1x79x128xi32, #tpu.memory_space<hbm>> -> memref<79x128xi32, #tpu.memory_space<hbm>>
      %dma_start3A_26 = arith.constant 0 : i32
      %dma_start3A_27 = arith.constant 0 : i32
      %dma_start3A_28 = tpu.memref_slice %arg3[%add3A, %dma_start3A_26, %dma_start3A_27] : memref<32x79x128xi32, #tpu.memory_space<hbm>> -> memref<1x79x128xi32, #tpu.memory_space<hbm>>
      %dma_start3A_29 = tpu.memref_squeeze %dma_start3A_28 : memref<1x79x128xi32, #tpu.memory_space<hbm>> -> memref<79x128xi32, #tpu.memory_space<hbm>>
      tpu.enqueue_dma source(%dma_start3A_29 : memref<79x128xi32, #tpu.memory_space<hbm>>) target(%arg6 : memref<79x128xi32, #tpu.memory_space<vmem>>) target_semaphore(%run_scoped3A : memref<!tpu.dma_semaphore, #tpu.memory_space<semaphore_mem>>)
      %dma_wait3A = arith.constant 0 : i32
      %dma_wait3A_30 = arith.constant 0 : i32
      %dma_wait3A_31 = tpu.memref_slice %arg3[%add3A, %dma_wait3A, %dma_wait3A_30] : memref<32x79x128xi32, #tpu.memory_space<hbm>> -> memref<1x79x128xi32, #tpu.memory_space<hbm>>
      %dma_wait3A_32 = tpu.memref_squeeze %dma_wait3A_31 : memref<1x79x128xi32, #tpu.memory_space<hbm>> -> memref<79x128xi32, #tpu.memory_space<hbm>>
      %dma_wait3A_33 = arith.constant 0 : i32
      %dma_wait3A_34 = arith.constant 0 : i32
      %dma_wait3A_35 = tpu.memref_slice %arg3[%add3A, %dma_wait3A_33, %dma_wait3A_34] : memref<32x79x128xi32, #tpu.memory_space<hbm>> -> memref<1x79x128xi32, #tpu.memory_space<hbm>>
      %dma_wait3A_36 = tpu.memref_squeeze %dma_wait3A_35 : memref<1x79x128xi32, #tpu.memory_space<hbm>> -> memref<79x128xi32, #tpu.memory_space<hbm>>
      tpu.wait_dma2 semaphore(%run_scoped3A : memref<!tpu.dma_semaphore, #tpu.memory_space<semaphore_mem>>) src(%dma_wait3A_36 : memref<79x128xi32, #tpu.memory_space<hbm>>) dst(%arg6 : memref<79x128xi32, #tpu.memory_space<vmem>>)
      tpu.yield
    }) : () -> ()
    "tpu.region"() ({
      %run_scoped3A = tpu.sem_alloc : memref<!tpu.dma_semaphore, #tpu.memory_space<semaphore_mem>>
      %dma_start3A = arith.constant 0 : i32
      %dma_start3A_23 = arith.constant 0 : i32
      %dma_start3A_24 = tpu.memref_slice %arg4[%add3A, %dma_start3A, %dma_start3A_23] : memref<32x79x128xi32, #tpu.memory_space<hbm>> -> memref<1x79x128xi32, #tpu.memory_space<hbm>>
      %dma_start3A_25 = tpu.memref_squeeze %dma_start3A_24 : memref<1x79x128xi32, #tpu.memory_space<hbm>> -> memref<79x128xi32, #tpu.memory_space<hbm>>
      %dma_start3A_26 = arith.constant 0 : i32
      %dma_start3A_27 = arith.constant 0 : i32
      %dma_start3A_28 = tpu.memref_slice %arg4[%add3A, %dma_start3A_26, %dma_start3A_27] : memref<32x79x128xi32, #tpu.memory_space<hbm>> -> memref<1x79x128xi32, #tpu.memory_space<hbm>>
      %dma_start3A_29 = tpu.memref_squeeze %dma_start3A_28 : memref<1x79x128xi32, #tpu.memory_space<hbm>> -> memref<79x128xi32, #tpu.memory_space<hbm>>
      tpu.enqueue_dma source(%dma_start3A_29 : memref<79x128xi32, #tpu.memory_space<hbm>>) target(%arg7 : memref<79x128xi32, #tpu.memory_space<vmem>>) target_semaphore(%run_scoped3A : memref<!tpu.dma_semaphore, #tpu.memory_space<semaphore_mem>>)
      %dma_wait3A = arith.constant 0 : i32
      %dma_wait3A_30 = arith.constant 0 : i32
      %dma_wait3A_31 = tpu.memref_slice %arg4[%add3A, %dma_wait3A, %dma_wait3A_30] : memref<32x79x128xi32, #tpu.memory_space<hbm>> -> memref<1x79x128xi32, #tpu.memory_space<hbm>>
      %dma_wait3A_32 = tpu.memref_squeeze %dma_wait3A_31 : memref<1x79x128xi32, #tpu.memory_space<hbm>> -> memref<79x128xi32, #tpu.memory_space<hbm>>
      %dma_wait3A_33 = arith.constant 0 : i32
      %dma_wait3A_34 = arith.constant 0 : i32
      %dma_wait3A_35 = tpu.memref_slice %arg4[%add3A, %dma_wait3A_33, %dma_wait3A_34] : memref<32x79x128xi32, #tpu.memory_space<hbm>> -> memref<1x79x128xi32, #tpu.memory_space<hbm>>
      %dma_wait3A_36 = tpu.memref_squeeze %dma_wait3A_35 : memref<1x79x128xi32, #tpu.memory_space<hbm>> -> memref<79x128xi32, #tpu.memory_space<hbm>>
      tpu.wait_dma2 semaphore(%run_scoped3A : memref<!tpu.dma_semaphore, #tpu.memory_space<semaphore_mem>>) src(%dma_wait3A_36 : memref<79x128xi32, #tpu.memory_space<hbm>>) dst(%arg7 : memref<79x128xi32, #tpu.memory_space<vmem>>)
      tpu.yield
    }) : () -> ()
    %barrier3A = arith.constant 0 : index
    tpu.barrier barrier_id(%barrier3A)
    %scan3A_16 = arith.constant 0 : i32
    %scan3A_17 = arith.constant 0 : i32
    %scan3A_18 = arith.constant 79 : i32
    %scan3A_19 = arith.addi %scan3A_17, %scan3A_18 : i32
    %scan3A_20 = arith.constant 1 : i32
    scf.for %scan3A_23 = %scan3A_17 to %scan3A_19 step %scan3A_20  : i32 {
      %dma_start3A = arith.constant 0 : i32
      %dma_start3A_24 = tpu.memref_slice %arg6[%scan3A_23, %dma_start3A] : memref<79x128xi32, #tpu.memory_space<vmem>> -> memref<1x128xi32, #tpu.memory_space<vmem>>
      %dma_start3A_25 = tpu.memref_squeeze %dma_start3A_24 : memref<1x128xi32, #tpu.memory_space<vmem>> -> memref<128xi32, #tpu.memory_space<vmem>>
      %dma_start3A_26 = arith.constant 0 : i32
      %dma_start3A_27 = arith.constant 0 : i32
      %dma_start3A_28 = tpu.memref_slice %arg9[%dma_start3A_26, %dma_start3A_27] : memref<10112x16xf32, #tpu.memory_space<vmem_shared>> -> memref<10112x16xf32, #tpu.memory_space<vmem_shared>>
      tpu.enqueue_indirect_dma source(%dma_start3A_28 : memref<10112x16xf32, #tpu.memory_space<vmem_shared>>) target(%arg8 : memref<128x16xf32, #tpu.memory_space<vmem>>) offsets(%dma_start3A_25 : memref<128xi32, #tpu.memory_space<vmem>>) semaphore(%arg11 : memref<!tpu.dma_semaphore, #tpu.memory_space<semaphore_mem>>)
      %dma_wait3A = arith.constant 0 : i32
      %dma_wait3A_29 = tpu.memref_slice %arg6[%scan3A_23, %dma_wait3A] : memref<79x128xi32, #tpu.memory_space<vmem>> -> memref<1x128xi32, #tpu.memory_space<vmem>>
      %dma_wait3A_30 = tpu.memref_squeeze %dma_wait3A_29 : memref<1x128xi32, #tpu.memory_space<vmem>> -> memref<128xi32, #tpu.memory_space<vmem>>
      %dma_wait3A_31 = arith.constant 0 : i32
      %dma_wait3A_32 = arith.constant 0 : i32
      %dma_wait3A_33 = tpu.memref_slice %arg9[%dma_wait3A_31, %dma_wait3A_32] : memref<10112x16xf32, #tpu.memory_space<vmem_shared>> -> memref<10112x16xf32, #tpu.memory_space<vmem_shared>>
      tpu.wait_indirect_dma semaphore(%arg11 : memref<!tpu.dma_semaphore, #tpu.memory_space<semaphore_mem>>) src(%dma_wait3A_33 : memref<10112x16xf32, #tpu.memory_space<vmem_shared>>) dst(%arg8 : memref<128x16xf32, #tpu.memory_space<vmem>>)
      "tpu.region"() ({
        %run_scoped3A = tpu.sem_alloc : memref<!tpu.dma_semaphore, #tpu.memory_space<semaphore_mem>>
        %dma_start3A_34 = arith.constant 0 : i32
        %dma_start3A_35 = tpu.memref_slice %arg7[%scan3A_23, %dma_start3A_34] : memref<79x128xi32, #tpu.memory_space<vmem>> -> memref<1x128xi32, #tpu.memory_space<vmem>>
        %dma_start3A_36 = tpu.memref_squeeze %dma_start3A_35 : memref<1x128xi32, #tpu.memory_space<vmem>> -> memref<128xi32, #tpu.memory_space<vmem>>
        %dma_start3A_37 = arith.constant 0 : i32
        %dma_start3A_38 = arith.constant 0 : i32
        %dma_start3A_39 = tpu.memref_slice %arg10[%dma_start3A_37, %dma_start3A_38] : memref<10112x16xf32, #tpu.memory_space<vmem_shared>> -> memref<10112x16xf32, #tpu.memory_space<vmem_shared>>
        tpu.enqueue_indirect_dma source(%arg8 : memref<128x16xf32, #tpu.memory_space<vmem>>) target(%dma_start3A_39 : memref<10112x16xf32, #tpu.memory_space<vmem_shared>>) offsets(%dma_start3A_36 : memref<128xi32, #tpu.memory_space<vmem>>) semaphore(%run_scoped3A : memref<!tpu.dma_semaphore, #tpu.memory_space<semaphore_mem>>) {add = true}
        %dma_wait3A_40 = arith.constant 0 : i32
        %dma_wait3A_41 = tpu.memref_slice %arg7[%scan3A_23, %dma_wait3A_40] : memref<79x128xi32, #tpu.memory_space<vmem>> -> memref<1x128xi32, #tpu.memory_space<vmem>>
        %dma_wait3A_42 = tpu.memref_squeeze %dma_wait3A_41 : memref<1x128xi32, #tpu.memory_space<vmem>> -> memref<128xi32, #tpu.memory_space<vmem>>
        %dma_wait3A_43 = arith.constant 0 : i32
        %dma_wait3A_44 = arith.constant 0 : i32
        %dma_wait3A_45 = tpu.memref_slice %arg10[%dma_wait3A_43, %dma_wait3A_44] : memref<10112x16xf32, #tpu.memory_space<vmem_shared>> -> memref<10112x16xf32, #tpu.memory_space<vmem_shared>>
        tpu.wait_indirect_dma semaphore(%run_scoped3A : memref<!tpu.dma_semaphore, #tpu.memory_space<semaphore_mem>>) src(%arg8 : memref<128x16xf32, #tpu.memory_space<vmem>>) dst(%dma_wait3A_45 : memref<10112x16xf32, #tpu.memory_space<vmem_shared>>)
        tpu.yield
      }) : () -> ()
    }
    %scan3A_21 = arith.constant 79 : i32
    %barrier3A_22 = arith.constant 0 : index
    tpu.barrier barrier_id(%barrier3A_22)
    "tpu.region"() ({
      %run_scoped3A = tpu.sem_alloc : memref<!tpu.dma_semaphore, #tpu.memory_space<semaphore_mem>>
      %dma_start3A = arith.constant 0 : i32
      %dma_start3A_23 = tpu.memref_slice %arg5[%arg0, %mul3A_2, %dma_start3A] : memref<2x10112x16xf32, #tpu.memory_space<hbm>> -> memref<1x632x16xf32, #tpu.memory_space<hbm>>
      %dma_start3A_24 = tpu.memref_squeeze %dma_start3A_23 : memref<1x632x16xf32, #tpu.memory_space<hbm>> -> memref<632x16xf32, #tpu.memory_space<hbm>>
      %dma_start3A_25 = arith.constant 0 : i32
      %dma_start3A_26 = tpu.memref_slice %arg10[%mul3A_2, %dma_start3A_25] : memref<10112x16xf32, #tpu.memory_space<vmem_shared>> -> memref<632x16xf32, #tpu.memory_space<vmem_shared>>
      tpu.enqueue_dma source(%dma_start3A_26 : memref<632x16xf32, #tpu.memory_space<vmem_shared>>) target(%dma_start3A_24 : memref<632x16xf32, #tpu.memory_space<hbm>>) target_semaphore(%run_scoped3A : memref<!tpu.dma_semaphore, #tpu.memory_space<semaphore_mem>>)
      %dma_wait3A = arith.constant 0 : i32
      %dma_wait3A_27 = tpu.memref_slice %arg5[%arg0, %mul3A_2, %dma_wait3A] : memref<2x10112x16xf32, #tpu.memory_space<hbm>> -> memref<1x632x16xf32, #tpu.memory_space<hbm>>
      %dma_wait3A_28 = tpu.memref_squeeze %dma_wait3A_27 : memref<1x632x16xf32, #tpu.memory_space<hbm>> -> memref<632x16xf32, #tpu.memory_space<hbm>>
      %dma_wait3A_29 = arith.constant 0 : i32
      %dma_wait3A_30 = tpu.memref_slice %arg10[%mul3A_2, %dma_wait3A_29] : memref<10112x16xf32, #tpu.memory_space<vmem_shared>> -> memref<632x16xf32, #tpu.memory_space<vmem_shared>>
      tpu.wait_dma2 semaphore(%run_scoped3A : memref<!tpu.dma_semaphore, #tpu.memory_space<semaphore_mem>>) src(%dma_wait3A_30 : memref<632x16xf32, #tpu.memory_space<vmem_shared>>) dst(%dma_wait3A_28 : memref<632x16xf32, #tpu.memory_space<hbm>>)
      tpu.yield
    }) : () -> ()
    return
  }
}

module attributes {stable_mosaic.version = 14 : i64} {
  func.func @_tc_hidden_body(%arg0: memref<10112x128xf32, #tpu.memory_space<vmem>>, %arg1: memref<128x16xf32, #tpu.memory_space<vmem>>, %arg2: memref<2x10112x16xf32, #tpu.memory_space<vmem>>, %arg3: memref<10112x16xf32, #tpu.memory_space<vmem>>) attributes {dimension_semantics = [], scalar_prefetch = 0 : i64, scratch_operands = 0 : i64, tpu.core_type = #tpu.core_type<tc>} {
    %get3A = arith.constant 0 : index
    %get3A_0 = arith.constant 0 : index
    %get3A_1 = vector.load %arg0[%get3A, %get3A_0] : memref<10112x128xf32, #tpu.memory_space<vmem>>, vector<10112x128xf32>
    %get3A_2 = arith.constant 0 : index
    %get3A_3 = arith.constant 0 : index
    %get3A_4 = vector.load %arg1[%get3A_2, %get3A_3] : memref<128x16xf32, #tpu.memory_space<vmem>>, vector<128x16xf32>
    %dot_general3A = arith.constant dense<0.000000e+00> : vector<10112x16xf32>
    %dot_general3A_5 = tpu.matmul %get3A_1, %get3A_4, %dot_general3A {dimension_numbers = #tpu.dot_dimension_numbers<[1], [0], [0], [1], [0, 0, 1, 1], [], []>, transpose_lhs_hint = false} : vector<10112x128xf32>, vector<128x16xf32>, vector<10112x16xf32> -> vector<10112x16xf32>
    %get3A_6 = arith.constant 0 : index
    %get3A_7 = arith.constant 0 : index
    %get3A_8 = arith.constant 0 : index
    %get3A_9 = vector.load %arg2[%get3A_6, %get3A_7, %get3A_8] : memref<2x10112x16xf32, #tpu.memory_space<vmem>>, vector<1x10112x16xf32>
    %get3A_10 = vector.shape_cast %get3A_9 : vector<1x10112x16xf32> to vector<10112x16xf32>
    %get3A_11 = arith.constant 1 : index
    %get3A_12 = arith.constant 0 : index
    %get3A_13 = arith.constant 0 : index
    %get3A_14 = vector.load %arg2[%get3A_11, %get3A_12, %get3A_13] : memref<2x10112x16xf32, #tpu.memory_space<vmem>>, vector<1x10112x16xf32>
    %get3A_15 = vector.shape_cast %get3A_14 : vector<1x10112x16xf32> to vector<10112x16xf32>
    %add3A = arith.addf %get3A_10, %get3A_15 : vector<10112x16xf32>
    %add3A_16 = arith.constant 1.000000e+00 : f32
    %add3A_17 = vector.broadcast %add3A_16 : f32 to vector<10112x16xf32>
    %add3A_18 = arith.addf %add3A, %add3A_17 : vector<10112x16xf32>
    %rsqrt3A = math.rsqrt %add3A_18 : vector<10112x16xf32>
    %mul3A = arith.mulf %dot_general3A_5, %rsqrt3A : vector<10112x16xf32>
    %swap3A = arith.constant 0 : index
    %swap3A_19 = arith.constant 0 : index
    %swap3A_20 = vector.load %arg3[%swap3A, %swap3A_19] : memref<10112x16xf32, #tpu.memory_space<vmem>>, vector<10112x16xf32>
    tpu.vector_store %arg3[%swap3A, %swap3A_19], %mul3A {strides = array<i32>} : memref<10112x16xf32, #tpu.memory_space<vmem>>, vector<10112x16xf32>,
    return
  }
}

module attributes {stable_mosaic.version = 14 : i64} {
  func.func @_tc_mid_body(%arg0: memref<2x10112x16xf32, #tpu.memory_space<vmem>>, %arg1: memref<10112x16xf32, #tpu.memory_space<vmem>>, %arg2: memref<2x10112x16xf32, #tpu.memory_space<vmem>>, %arg3: memref<1x16xf32, #tpu.memory_space<vmem>>, %arg4: memref<10112x16xf32, #tpu.memory_space<vmem>>) attributes {dimension_semantics = [], scalar_prefetch = 0 : i64, scratch_operands = 0 : i64, tpu.core_type = #tpu.core_type<tc>} {
    %get3A = arith.constant 0 : index
    %get3A_0 = arith.constant 0 : index
    %get3A_1 = arith.constant 0 : index
    %get3A_2 = vector.load %arg2[%get3A, %get3A_0, %get3A_1] : memref<2x10112x16xf32, #tpu.memory_space<vmem>>, vector<1x10112x16xf32>
    %get3A_3 = vector.shape_cast %get3A_2 : vector<1x10112x16xf32> to vector<10112x16xf32>
    %get3A_4 = arith.constant 1 : index
    %get3A_5 = arith.constant 0 : index
    %get3A_6 = arith.constant 0 : index
    %get3A_7 = vector.load %arg2[%get3A_4, %get3A_5, %get3A_6] : memref<2x10112x16xf32, #tpu.memory_space<vmem>>, vector<1x10112x16xf32>
    %get3A_8 = vector.shape_cast %get3A_7 : vector<1x10112x16xf32> to vector<10112x16xf32>
    %add3A = arith.addf %get3A_3, %get3A_8 : vector<10112x16xf32>
    %add3A_9 = arith.constant 1.000000e+00 : f32
    %add3A_10 = vector.broadcast %add3A_9 : f32 to vector<10112x16xf32>
    %add3A_11 = arith.addf %add3A, %add3A_10 : vector<10112x16xf32>
    %rsqrt3A = math.rsqrt %add3A_11 : vector<10112x16xf32>
    %get3A_12 = arith.constant 0 : index
    %get3A_13 = arith.constant 0 : index
    %get3A_14 = arith.constant 0 : index
    %get3A_15 = vector.load %arg0[%get3A_12, %get3A_13, %get3A_14] : memref<2x10112x16xf32, #tpu.memory_space<vmem>>, vector<1x10112x16xf32>
    %get3A_16 = vector.shape_cast %get3A_15 : vector<1x10112x16xf32> to vector<10112x16xf32>
    %get3A_17 = arith.constant 1 : index
    %get3A_18 = arith.constant 0 : index
    %get3A_19 = arith.constant 0 : index
    %get3A_20 = vector.load %arg0[%get3A_17, %get3A_18, %get3A_19] : memref<2x10112x16xf32, #tpu.memory_space<vmem>>, vector<1x10112x16xf32>
    %get3A_21 = vector.shape_cast %get3A_20 : vector<1x10112x16xf32> to vector<10112x16xf32>
    %add3A_22 = arith.addf %get3A_16, %get3A_21 : vector<10112x16xf32>
    %get3A_23 = arith.constant 0 : index
    %get3A_24 = arith.constant 0 : index
    %get3A_25 = vector.load %arg1[%get3A_23, %get3A_24] : memref<10112x16xf32, #tpu.memory_space<vmem>>, vector<10112x16xf32>
    %add3A_26 = arith.addf %add3A_22, %get3A_25 : vector<10112x16xf32>
    %mul3A = arith.mulf %rsqrt3A, %add3A_26 : vector<10112x16xf32>
    %get3A_27 = arith.constant 0 : index
    %get3A_28 = arith.constant 0 : index
    %get3A_29 = vector.load %arg3[%get3A_27, %get3A_28] : memref<1x16xf32, #tpu.memory_space<vmem>>, vector<1x16xf32>
    %add3A_30 = vector.broadcast %get3A_29 : vector<1x16xf32> to vector<10112x16xf32>
    %add3A_31 = arith.addf %mul3A, %add3A_30 : vector<10112x16xf32>
    %max3A = arith.constant 0.000000e+00 : f32
    %max3A_32 = vector.broadcast %max3A : f32 to vector<10112x16xf32>
    %max3A_33 = arith.maximumf %add3A_31, %max3A_32 : vector<10112x16xf32>
    %mul3A_34 = arith.mulf %max3A_33, %rsqrt3A : vector<10112x16xf32>
    %swap3A = arith.constant 0 : index
    %swap3A_35 = arith.constant 0 : index
    %swap3A_36 = vector.load %arg4[%swap3A, %swap3A_35] : memref<10112x16xf32, #tpu.memory_space<vmem>>, vector<10112x16xf32>
    tpu.vector_store %arg4[%swap3A, %swap3A_35], %mul3A_34 {strides = array<i32>} : memref<10112x16xf32, #tpu.memory_space<vmem>>, vector<10112x16xf32>,
    return
  }
}

module attributes {stable_mosaic.version = 14 : i64} {
  func.func @_tc_final_body(%arg0: memref<2x10112x16xf32, #tpu.memory_space<vmem>>, %arg1: memref<10112x16xf32, #tpu.memory_space<vmem>>, %arg2: memref<2x10112x16xf32, #tpu.memory_space<vmem>>, %arg3: memref<16x2xf32, #tpu.memory_space<vmem>>, %arg4: memref<1x2xf32, #tpu.memory_space<vmem>>, %arg5: memref<10000x2xf32, #tpu.memory_space<vmem>>) attributes {dimension_semantics = [], scalar_prefetch = 0 : i64, scratch_operands = 0 : i64, tpu.core_type = #tpu.core_type<tc>} {
    %get3A = arith.constant 0 : index
    %get3A_0 = arith.constant 0 : index
    %get3A_1 = arith.constant 0 : index
    %get3A_2 = vector.load %arg2[%get3A, %get3A_0, %get3A_1] : memref<2x10112x16xf32, #tpu.memory_space<vmem>>, vector<1x10112x16xf32>
    %get3A_3 = vector.shape_cast %get3A_2 : vector<1x10112x16xf32> to vector<10112x16xf32>
    %get3A_4 = arith.constant 1 : index
    %get3A_5 = arith.constant 0 : index
    %get3A_6 = arith.constant 0 : index
    %get3A_7 = vector.load %arg2[%get3A_4, %get3A_5, %get3A_6] : memref<2x10112x16xf32, #tpu.memory_space<vmem>>, vector<1x10112x16xf32>
    %get3A_8 = vector.shape_cast %get3A_7 : vector<1x10112x16xf32> to vector<10112x16xf32>
    %add3A = arith.addf %get3A_3, %get3A_8 : vector<10112x16xf32>
    %add3A_9 = arith.constant 1.000000e+00 : f32
    %add3A_10 = vector.broadcast %add3A_9 : f32 to vector<10112x16xf32>
    %add3A_11 = arith.addf %add3A, %add3A_10 : vector<10112x16xf32>
    %rsqrt3A = math.rsqrt %add3A_11 : vector<10112x16xf32>
    %get3A_12 = arith.constant 0 : index
    %get3A_13 = arith.constant 0 : index
    %get3A_14 = arith.constant 0 : index
    %get3A_15 = vector.load %arg0[%get3A_12, %get3A_13, %get3A_14] : memref<2x10112x16xf32, #tpu.memory_space<vmem>>, vector<1x10112x16xf32>
    %get3A_16 = vector.shape_cast %get3A_15 : vector<1x10112x16xf32> to vector<10112x16xf32>
    %get3A_17 = arith.constant 1 : index
    %get3A_18 = arith.constant 0 : index
    %get3A_19 = arith.constant 0 : index
    %get3A_20 = vector.load %arg0[%get3A_17, %get3A_18, %get3A_19] : memref<2x10112x16xf32, #tpu.memory_space<vmem>>, vector<1x10112x16xf32>
    %get3A_21 = vector.shape_cast %get3A_20 : vector<1x10112x16xf32> to vector<10112x16xf32>
    %add3A_22 = arith.addf %get3A_16, %get3A_21 : vector<10112x16xf32>
    %get3A_23 = arith.constant 0 : index
    %get3A_24 = arith.constant 0 : index
    %get3A_25 = vector.load %arg1[%get3A_23, %get3A_24] : memref<10112x16xf32, #tpu.memory_space<vmem>>, vector<10112x16xf32>
    %add3A_26 = arith.addf %add3A_22, %get3A_25 : vector<10112x16xf32>
    %mul3A = arith.mulf %rsqrt3A, %add3A_26 : vector<10112x16xf32>
    %slice3A = vector.extract_strided_slice %mul3A {offsets = [0, 0], sizes = [10000, 16], strides = [1, 1]} : vector<10112x16xf32> to vector<10000x16xf32>
    %get3A_27 = arith.constant 0 : index
    %get3A_28 = arith.constant 0 : index
    %get3A_29 = vector.load %arg3[%get3A_27, %get3A_28] : memref<16x2xf32, #tpu.memory_space<vmem>>, vector<16x2xf32>
    %dot_general3A = arith.constant dense<0.000000e+00> : vector<10000x2xf32>
    %dot_general3A_30 = tpu.matmul %slice3A, %get3A_29, %dot_general3A {dimension_numbers = #tpu.dot_dimension_numbers<[1], [0], [0], [1], [0, 0, 1, 1], [], []>, transpose_lhs_hint = false} : vector<10000x16xf32>, vector<16x2xf32>, vector<10000x2xf32> -> vector<10000x2xf32>
    %get3A_31 = arith.constant 0 : index
    %get3A_32 = arith.constant 0 : index
    %get3A_33 = vector.load %arg4[%get3A_31, %get3A_32] : memref<1x2xf32, #tpu.memory_space<vmem>>, vector<1x2xf32>
    %add3A_34 = vector.broadcast %get3A_33 : vector<1x2xf32> to vector<10000x2xf32>
    %add3A_35 = arith.addf %dot_general3A_30, %add3A_34 : vector<10000x2xf32>
    %slice3A_36 = vector.extract_strided_slice %add3A_35 {offsets = [0, 0], sizes = [10000, 1], strides = [1, 1]} : vector<10000x2xf32> to vector<10000x1xf32>
    %slice3A_37 = vector.extract_strided_slice %add3A_35 {offsets = [0, 1], sizes = [10000, 1], strides = [1, 1]} : vector<10000x2xf32> to vector<10000x1xf32>
    %max3A = arith.maximumf %slice3A_36, %slice3A_37 : vector<10000x1xf32>
    %sub3A = arith.subf %slice3A_36, %max3A : vector<10000x1xf32>
    %exp3A = math.exp %sub3A : vector<10000x1xf32>
    %sub3A_38 = arith.subf %slice3A_37, %max3A : vector<10000x1xf32>
    %exp3A_39 = math.exp %sub3A_38 : vector<10000x1xf32>
    %add3A_40 = arith.addf %exp3A, %exp3A_39 : vector<10000x1xf32>
    %log3A = math.log %add3A_40 : vector<10000x1xf32>
    %add3A_41 = arith.addf %max3A, %log3A : vector<10000x1xf32>
    %sub3A_42 = vector.broadcast %add3A_41 : vector<10000x1xf32> to vector<10000x2xf32>
    %sub3A_43 = arith.subf %add3A_35, %sub3A_42 : vector<10000x2xf32>
    %swap3A = arith.constant 0 : index
    %swap3A_44 = arith.constant 0 : index
    %swap3A_45 = vector.load %arg5[%swap3A, %swap3A_44] : memref<10000x2xf32, #tpu.memory_space<vmem>>, vector<10000x2xf32>
    tpu.vector_store %arg5[%swap3A, %swap3A_44], %sub3A_43 {strides = array<i32>} : memref<10000x2xf32, #tpu.memory_space<vmem>>, vector<10000x2xf32>,
    return
  }
}

</mosaic_0001>

<sc_bundles>
// kernel: kernel.11.cloned.1.call-start
scs
__scs_entry_jumppad:
0x0: {  	(pc) =	sbr.rel $0x88, $3  }
0x1: {  	(tag) =	ssettag $0x0;
	lr =	simm.s32 $0x1  }
0x2: {  	[smem:$0x3F9B] =	sst lr;
	_ =	strace $0xD0000000  }
0x3: {  	_ = 	snop  }
0x4: {  	_ = 	snop  }
0x5: {  	_ = 	snop  }
0x6: {  	_ = 	snop  }
0x7: {  	_ = 	snop  }
__scs_overlays_trampoline_lowered:
0x8: {  	[smem:$0x3FAA] =	sst s0  }
0x9: {  	[smem:$0x3FAB] =	sst s1  }
0xa: {  	[smem:$0x3FAC] =	sst s2  }
0xb: {  	[smem:$0x3FAD] =	sst s3  }
0xc: {  	[smem:$0x3FAE] =	sst s4  }
0xd: {  	[smem:$0x3FAF] =	sst s5  }
0xe: {  	[smem:$0x3FB0] =	sst s6  }
0xf: {  	[smem:$0x3FB1] =	sst s7  }
0x10: {  	[smem:$0x3FB2] =	sst s8  }
0x11: {  	[smem:$0x3FB3] =	sst s9;
	s0 =	simm.s32 @!p0 $0x0  }
0x12: {  	s1 =	sld [smem:$0x3F99];
	s0 =	simm.s32 @p0 $0x1  }
0x13: {  	[smem:$0x3FB4] =	sst s0;
	s0 =	simm.s32 @!p1 $0x0  }
0x14: {  	s2 =	sld [smem:$0x3F98];
	s0 =	simm.s32 @p1 $0x1  }
0x15: {  	[smem:$0x3FB5] =	sst s0;
	s0 =	simm.s32 @!p2 $0x0  }
0x16: {  	s3 =	sld [smem:$0x3FDB];
	s0 =	simm.s32 @p2 $0x1  }
0x17: {  	s4 =	simm.s32 $0x1BF5;
	[smem:$0x3FB7] =	sst s0  }
0x18: {  	s0 =	sld [smem:$0x3F9A];
	_ =	swait.ge [sflag:s4], $0x0  }
0x19: {  	s7 =	sld [smem:$0x3F9B]  }
0x1a: {  	s8 =	sadd.s32 $0xFFFFE003, lr  }
0x1b: {  	s9 =	sadd.s32 $0xFFFFFEF7, lr;
	s5 =	simm.s32 $0xFFFFFFFF;
	p2 =	slt.u32 s8, $0xFFFFF086  }
0x1c: {  	p1 =	slt.u32 s9, $0xF7A;
	s5 =	simm.s32 @!p2 $0x0  }
0x1d: {  	s5 =	simm.s32 @p1 $0x1;
	p0 =	seq.s32 s7, s2  }
0x1e: {  	s7 =	smul.u32 @!p0 $0xF7A, s2;
	p2 =	seq.s32 @!p0 s5, $0x0  }
0x1f: {  	s9 =	smul.u32 $0xF7A, s1;
	s8 =	simm.s32 @!p0 $0x1BF5;
	p2 =	por !p2, p0  }
0x20: {  	[sflag:s8] =	ssyncset.s32 @!p0 $0xFFFFF086;
	s6 =	sadd.s32 @!p0 s3, s7;
	s7 =	simm.s32 @!p0 $0x108  }
0x21: {  	s3 =	sadd.s32 s3, s9;
	s6 =	sadd.s32 @!p0 $0x88, s6;
	s7 =	simm.s32 @p2 $0x1082  }
0x22: {  	[simem:s7], [sflag:s8] =	dma.local @!p0 [hbm:s6], $0xF7A  }
0x23: {  	s9 =	sor.u32 $0xD0000000, s2;
	s6 =	simm.s32 $0x108;
	_ =	swait.ge @!p0 [sflag:s8], $0x0  }
0x24: {  	s3 =	sadd.s32 $0x88, s3;
	s6 =	simm.s32 @!p1 $0x1082;
	[sflag:s4] =	ssyncset.s32 $0xFFFFF086  }
0x25: {  	[simem:s6], [sflag:s4] =	dma.local [hbm:s3], $0xF7A  }
0x26: {  	[smem:$0x3F9B] =	sst s1;
	(tag) =	ssettag s2;
	_ =	strace s9  }
0x27: {  	s1 =	sld [smem:$0x3FAB]  }
0x28: {  	s2 =	sld [smem:$0x3FAC]  }
0x29: {  	s4 =	sld [smem:$0x3FAE]  }
0x2a: {  	p0 =	seq.s32 s5, $0x0;
	s5 =	sld [smem:$0x3FAF]  }
0x2b: {  	s6 =	sld [smem:$0x3FB0]  }
0x2c: {  	s7 =	sld [smem:$0x3FB1]  }
0x2d: {  	s3 =	simm.s32 $0x108;
	s8 =	sld [smem:$0x3FB2]  }
0x2e: {  	s3 =	simm.s32 @!p0 $0x1082;
	s9 =	sld [smem:$0x3FB3]  }
0x2f: {  	lr =	sadd.s32 s0, s3;
	s0 =	sld [smem:$0x3FAA]  }
0x30: {  	s3 =	sld [smem:$0x3FAD]  }
0x31: {  	[smem:$0x3FB6] =	sst s10  }
0x32: {  	s10 =	sld [smem:$0x3FB4];
	_ =	sdelay $0x3  }
0x33: {  	p0 =	seq.s32 s10, $0x1;
	s10 =	sld [smem:$0x3FB6];
	_ =	sdelay $0x3  }
0x34: {  	[smem:$0x3FB6] =	sst s10  }
0x35: {  	s10 =	sld [smem:$0x3FB5];
	_ =	sdelay $0x3  }
0x36: {  	p1 =	seq.s32 s10, $0x1;
	s10 =	sld [smem:$0x3FB6];
	_ =	sdelay $0x3  }
0x37: {  	[smem:$0x3FB6] =	sst s10  }
0x38: {  	s10 =	sld [smem:$0x3FB7]  }
0x39: {  	_ = 	snop;
	(pc) =	sbr.ind lr, $3  }
0x3a: {  	_ = 	snop  }
0x3b: {  	_ = 	snop  }
0x3c: {  	p2 =	seq.s32 s10, $0x1;
	s10 =	sld [smem:$0x3FB6]  }
0x3d: {  	_ =	shalt  }
0x3e: {  	_ =	shalt  }
0x3f: {  	_ =	shalt  }
0x40: {  	_ =	shalt  }
0x41: {  	_ =	shalt  }
0x42: {  	_ =	shalt  }
0x43: {  	_ =	shalt  }
0x44: {  	_ =	shalt  }
0x45: {  	_ =	shalt  }
0x46: {  	_ =	shalt  }
0x47: {  	_ =	shalt  }
0x48: {  	_ =	shalt  }
0x49: {  	_ =	shalt  }
0x4a: {  	_ =	shalt  }
0x4b: {  	_ =	shalt  }
0x4c: {  	_ =	shalt  }
0x4d: {  	_ =	shalt  }
0x4e: {  	_ =	shalt  }
0x4f: {  	_ =	shalt  }
0x50: {  	_ =	shalt  }
0x51: {  	_ =	shalt  }
0x52: {  	_ =	shalt  }
0x53: {  	_ =	shalt  }
0x54: {  	_ =	shalt  }
0x55: {  	_ =	shalt  }
0x56: {  	_ =	shalt  }
0x57: {  	_ =	shalt  }
0x58: {  	_ =	shalt  }
0x59: {  	_ =	shalt  }
0x5a: {  	_ =	shalt  }
0x5b: {  	_ =	shalt  }
0x5c: {  	_ =	shalt  }
0x5d: {  	_ =	shalt  }
0x5e: {  	_ =	shalt  }
0x5f: {  	_ =	shalt  }
0x60: {  	_ =	shalt  }
0x61: {  	_ =	shalt  }
0x62: {  	_ =	shalt  }
0x63: {  	_ =	shalt  }
0x64: {  	_ =	shalt  }
0x65: {  	_ =	shalt  }
0x66: {  	_ =	shalt  }
0x67: {  	_ =	shalt  }
0x68: {  	_ =	shalt  }
0x69: {  	_ =	shalt  }
0x6a: {  	_ =	shalt  }
0x6b: {  	_ =	shalt  }
0x6c: {  	_ =	shalt  }
0x6d: {  	_ =	shalt  }
0x6e: {  	_ =	shalt  }
0x6f: {  	_ =	shalt  }
0x70: {  	_ =	shalt  }
0x71: {  	_ =	shalt  }
0x72: {  	_ =	shalt  }
0x73: {  	_ =	shalt  }
0x74: {  	_ =	shalt  }
0x75: {  	_ =	shalt  }
0x76: {  	_ =	shalt  }
0x77: {  	_ =	shalt  }
0x78: {  	_ =	shalt  }
0x79: {  	_ =	shalt  }
0x7a: {  	_ =	shalt  }
0x7b: {  	_ =	shalt  }
0x7c: {  	_ =	shalt  }
0x7d: {  	_ =	shalt  }
0x7e: {  	_ =	shalt  }
0x7f: {  	_ =	shalt  }
0x80: {  	_ =	shalt  }
0x81: {  	_ =	shalt  }
0x82: {  	_ =	shalt  }
0x83: {  	_ =	shalt  }
0x84: {  	_ =	shalt  }
0x85: {  	_ =	shalt  }
0x86: {  	_ =	shalt  }
0x87: {  	_ =	shalt  }
.Lfunc_end0:
.L_simem_size_0:
called_computation.1_lowered:
.L_overlay_start_0:
0x88: {  	s2 =	sld [smem:$0x3FD9]  }
0x89: {  	s3 =	sld [smem:$0x3FFE];
	_ =	sdelay $0x1  }
0x8a: {  	s1 =	srdreg.scid  }
0x8b: {  	s0 =	sand.u32 $0x1, s1  }
0x8c: {  	s16 =	sshll.u32 s0, $0xA;
	s2 =	sadd.s32 s3, s2  }
0x8d: {  	s2 =	sadd.s32 s2, s16  }
0x8e: {  	[smem:$0x3FC2] =	sst s2  }
0x8f: {  	_ = 	snop  }
0x90: {  	(tm) =	ssettm $0x1  }
0x91: {  	s17 =	sld [smem:$0x3FFB];
	_ =	sdelay $0x3  }
0x92: {  	_ =	strace s17  }
0x93: {  	s2 =	sld [smem:$0x3FFC];
	_ =	sdelay $0x3  }
0x94: {  	_ =	strace s2  }
0x95: {  	s2 =	sld [smem:$0x3FFD];
	_ =	sdelay $0x3  }
0x96: {  	_ =	strace s2  }
0x97: {  	_ =	strace $0x8FFFFFFF  }
0x98: {  	s18 =	sld [smem:$0x3FDB];
	_ =	sdelay $0x1  }
0x99: {  	s19 =	simm.s32 $_scs_section_size  }
0x9a: {  	s4 =	simm.s32 $_size__tile_overlayer_lowered;
	s5 =	simm.s32 $_tile_overlayer_lowered  }
0x9b: {  	s22 =	simm.s32 $0x1BFF;
	s21 =	sshll.u32 s5, $0x1;
	s2 =	sadd.s32 s19, s18  }
0x9c: {  	s6 =	simm.s32 $0x0;
	s20 =	sshll.u32 s4, $0x1;
	s4 =	sadd.s32 s21, s2  }
0x9d: {  	[timem:s6], [sflag:s22] =	dma.local [hbm:s4], s20  }
0x9e: {  	_ =	swait.ge [sflag:s22], s20  }
0x9f: {  	s3 =	ssub.s32 $0x0, s20;
	[sflag:s22] =	ssyncset.done $0x0  }
0xa0: {  	[sflag:s22] =	ssyncadd.s32 s3;
	_ =	sdelay $0x1  }
0xa1: {  	s23 =	simm.s32 $0x1B8B  }
0xa2: {  	_ =	swait.ge [sflag:s23], $0x1  }
0xa3: {  	[sflag:s23] =	ssyncset.done $0x0  }
0xa4: {  	s25 =	simm.s32 $0x1B8E;
	s24 =	sld [smem:$0x3FFE];
	[sflag:s23] =	ssyncadd.s32 $0xFFFFFFFF  }
0xa5: {  	s26 =	simm.s32 $execute0_lowered;
	[smem:$0x3FD2] =	sst s25  }
0xa6: {  	s4 =	sshll.u32 s26, $0x1;
	_ =	strace $0x80000049;
	[dreg:$0x1] =	wrdreg $0xFFFFFFFF  }
0xa7: {  	s28 =	simm.s32 $_size_execute0_lowered;
	s2 =	sadd.s32 s2, s4;
	[dreg:$0x0] =	wrdreg $0x0  }
0xa8: {  	s4 =	sshll.u32 s28, $0x1;
	[dreg:$0x2] =	wrdreg s2  }
0xa9: {  	[dreg:$0x3] =	wrdreg s4  }
0xaa: {  	[dreg:$0x4] =	wrdreg $0xC0  }
0xab: {  	_ =	task [dreg:s6], $0x5FFFF  }
0xac: {  	[dreg:$0x1] =	wrdreg $0xFFFFFFFF  }
0xad: {  	[dreg:$0x0] =	wrdreg $0x60  }
0xae: {  	[dreg:$0x2] =	wrdreg s24  }
0xaf: {  	[dreg:$0x3] =	wrdreg $0x90000  }
0xb0: {  	[dreg:$0x4] =	wrdreg $0xB7800  }
0xb1: {  	[dreg:$0x5] =	wrdreg $0x9  }
0xb2: {  	_ =	task.clear_ibuf [dreg:s6], $0x6FFFF;
	_ =	strace $0x90000049  }
0xb3: {  	s29 =	simm.s32 $0x9;
	_ =	strace $0x8000004B  }
0xb4: {  	_ =	swait.ge [sflag:s29], $0x1  }
0xb5: {  	[sflag:s29] =	ssyncadd.s32 $0xFFFFFFFF  }
0xb6: {  	_ =	strace $0x9000004B  }
0xb7: {  	_ =	sfence  }
0xb8: {  	s30 =	sld [smem:$0x0];
	_ =	sdelay $0x2  }
0xb9: {  	s31 =	sshll.u32 s1, $0xD;
	s1 =	sshrl.u32 s1, $0x2  }
0xba: {  	s3 =	sand.u32 $0x4000, s31;
	s1 =	sadd.s32 s1, s30  }
0xbb: {  	s0 =	sor.u32 s3, s0;
	s1 =	sshll.u32 s1, $0x11  }
0xbc: {  	s0 =	sor.u32 s1, s0  }
0xbd: {  	s0 =	sadd.s32 $0x8F2B, s0  }
0xbe: {  	[sflag:s0] =	ssyncadd.remote.s32 $0x1  }
0xbf: {  	_ =	sfence.sel $0xFFFF  }
0xc0: {  	[dreg:$0x0] =	wrdreg $0xFFFFFFFF;
	(pc) =	sbr.abs _section_cstart, $3  }
0xc1: {  	[dreg:$0x1] =	wrdreg $0xFFFFFFFF  }
0xc2: {  	_ =	task.clear_ibuf [dreg:s6], $0x2FFFF;
	_ =	strace $0x9FFFFFFF  }
0xc3: {  	(tm) =	ssettm $0x7FFFFFFF  }
tec
execute0_lowered:
.L_overlay_start_1:
0x0: {  	(tag) =	ssettag $0x1  }
0x1: {  	s5 =	rddreg [dreg:$0x0]  }
0x2: {  	s0 =	stileid.u32;
	s2 =	rddreg [dreg:$0x1]  }
0x3: {  	s1 =	srdreg.scid;
	s3 =	rddreg [dreg:$0x2]  }
0x4: {  	s4 =	simm.s32 $0x0;
	s15 =	simm.s32 $0x5000;
	s16 =	simm.s32 $0x2  }
0x5: {  	s19 =	simm.s32 $0x2800;
	s20 =	simm.s32 $0x80;
	s21 =	simm.s32 $0x1  }
0x6: {  	s6 =	sand.u32 $0x1, s1;
	s11 =	smul.u32 $0x13C00, s0;
	s1 =	rddreg [dreg:$0x3]  }
0x7: {  	s26 =	sshll.u32 s0, $0x1;
	[smem:$0x7FF] =	sst s4;
	s10 =	smul.u32 $0x4F000, s0  }
0x8: {  	s17 =	sshll.u32 s0, $0x6;
	s7 =	sor.u32 s6, s26;
	s8 =	smul.u32 $0x13C000, s6  }
0x9: {  	_ =	strace $0x8000004A;
	s6 =	ssub.s32 $0x2, s6;
	s17 =	sor.u32 $0x1C02, s17  }
0xa: {  	s7 =	smul.u32 $0x500, s7;
	s9 =	sshrl.u32 s11, $0x3;
	s29 =	sshrl.u32 s10, $0x2  }
0xb: {  	s31 =	sshrl.u32 s6, $0x1;
	s18 =	sadd.s32 s11, s2;
	s22 =	sadd.s32 s11, s3  }
0xc: {  	s9 =	sadd.s32 s9, s5;
	s28 =	sadd.s32 s11, s8;
	s13 =	ssub.s32 s6, s31  }
0xd: {  	s18 =	sshrl.u32 s18, $0x3;
	s12 =	sadd.s32 s7, s5;
	s7 =	sshrl.u32 s28, $0x3  }
0xe: {  	s22 =	sshrl.u32 s22, $0x3;
	s11 =	smax.u32 s13, $0x1;
	s30 =	sadd.s32 s7, s5  }
0xf: {  	s5 =	sadd.s32 s29, s3;
	s7 =	sadd.s32 $0x65400, s9;
	s8 =	sadd.s32 $0x5B400, s12  }
0x10: {  	s9 =	sadd.s32 $0x2400, s12;
	s6 =	sadd.s32 $0x10000, s5;
	s10 =	sadd.s32 $0x8CC00, s30  }
0x11: {  	v0 =	vimm.f32 $0.0e+00;
	s12 =	sadd.s32 $0x4000, s5;
	s13 =	sadd.s32 $0x8000, s5;
	s14 =	sadd.s32 $0xC000, s5  }
.LBB2_1:
0x12: {  	s23 =	simm.s32 $0x200;
	s24 =	simm.s32 $0x0  }
.LBB2_2:
0x13: {  	p0 =	sne.s32 s23, $0xFE00;
	[tilespmem:s24+$0x5000] =	vst v0;
	s24 =	smov.u32 s23;
	s23 =	sadd.s32 $0x200, s23  }
.Ltmp0:
0x14: {  	(pc) =	sbr.rel @p0 .LBB2_2-.Ltmp0, $2  }
0x15: {  	_ =	sdelay $0x2  }
0x16: {  	s24 =	sshra.s32 s24, $0x2  }
0x17: {  	[tilespmem:s24+$0x5000] =	vst v0  }
0x18: {  	[spmem:s5] =	stream.linear.scatter [tilespmem:s15], [sflag:$0x2], $0x4000, $0x38;
	[tilespmem:$0xDF00] =	vst v63  }
0x19: {  	_ =	swait.ge [sflag:s16], $0x4000  }
0x1a: {  	[sflag:s16] =	ssyncset.done $0x0  }
0x1b: {  	[sflag:s16] =	ssyncadd.s32 $0xFFFFC000  }
0x1c: {  	[spmem:s12] =	stream.linear.scatter [tilespmem:s15], [sflag:$0x2], $0x4000, $0x38;
	[tilespmem:$0xDF00] =	vst v63  }
0x1d: {  	_ =	swait.ge [sflag:s16], $0x4000  }
0x1e: {  	[sflag:s16] =	ssyncset.done $0x0  }
0x1f: {  	[sflag:s16] =	ssyncadd.s32 $0xFFFFC000  }
0x20: {  	[spmem:s13] =	stream.linear.scatter [tilespmem:s15], [sflag:$0x2], $0x4000, $0x38;
	[tilespmem:$0xDF00] =	vst v63  }
0x21: {  	_ =	swait.ge [sflag:s16], $0x4000  }
0x22: {  	[sflag:s16] =	ssyncset.done $0x0  }
0x23: {  	[sflag:s16] =	ssyncadd.s32 $0xFFFFC000  }
0x24: {  	[spmem:s14] =	stream.linear.scatter [tilespmem:s15], [sflag:$0x2], $0x4000, $0x38;
	[tilespmem:$0xDF00] =	vst v63  }
0x25: {  	_ =	swait.ge [sflag:s16], $0x4000  }
0x26: {  	[sflag:s16] =	ssyncset.done $0x0  }
0x27: {  	[sflag:s16] =	ssyncadd.s32 $0xFFFFC000  }
0x28: {  	[spmem:s6] =	stream.linear.scatter [tilespmem:s15], [sflag:$0x2], $0x3C00, $0x38;
	[tilespmem:$0xDF00] =	vst v63  }
0x29: {  	_ =	swait.ge [sflag:s16], $0x3C00  }
0x2a: {  	[sflag:s16] =	ssyncset.done $0x0  }
0x2b: {  	[sflag:s16] =	ssyncadd.s32 $0xFFFFC400  }
0x2c: {  	[spmem:s18], [sflag:s17] =	dma.local [hbm:s7], $0x2780  }
0x2d: {  	_ =	swait.ge [sflag:s16], $0x2780  }
0x2e: {  	[sflag:s16] =	ssyncset.done $0x0  }
0x2f: {  	s23 =	simm.s32 $0x0;
	[sflag:s16] =	ssyncadd.s32 $0xFFFFD880  }
0x30: {  	[tilespmem:s23], [sflag:$0x2] =	stream.linear.gather [hbm4b:s8+s23], $0x2780, $0x38;
	[tilespmem:$0xDF00] =	vst v63  }
0x31: {  	_ =	swait.ge [sflag:s16], $0x2780  }
0x32: {  	[sflag:s16] =	ssyncset.done $0x0  }
0x33: {  	[sflag:s16] =	ssyncadd.s32 $0xFFFFD880  }
0x34: {  	[tilespmem:s19], [sflag:$0x2] =	stream.linear.gather [hbm4b:s9+s23], $0x2780, $0x38;
	[tilespmem:$0xDF00] =	vst v63  }
0x35: {  	_ =	swait.ge [sflag:s16], $0x2780  }
0x36: {  	[sflag:s16] =	ssyncset.done $0x0  }
0x37: {  	[sflag:s16] =	ssyncadd.s32 $0xFFFFD880  }
0x38: {  	s30 =	simm.s32 $0x0;
	[bflag:$0x0] =	sbarrier.arrive $0xFFFF  }
0x39: {  	[tilespmem:s15], [sflag:$0x1] =	stream.indirect.gather [spmem:s2], $0x10, s30, s20, $0xb8;
	[tilespmem:$0xDF00] =	vst v63  }
0x3a: {  	_ =	swait.ge [sflag:s21], $0x800  }
0x3b: {  	[sflag:s21] =	ssyncset.done $0x0  }
0x3c: {  	s31 =	simm.s32 $0x2800;
	[sflag:s21] =	ssyncadd.s32 $0xFFFFF800  }
0x3d: {  	[spmem:s3] =	stream.indirect.scatter.add.f32 [tilespmem:s15], [sflag:$0x2], $0x10, s31, s20, $0xb8;
	[tilespmem:$0xDF00] =	vst v63  }
0x3e: {  	_ =	swait.ge [sflag:s16], $0x800  }
0x3f: {  	s24 =	simm.s32 $0x400;
	s23 =	simm.s32 $0x200;
	[sflag:s16] =	ssyncset.done $0x0  }
.LBB2_4:
0x40: {  	s25 =	sshra.s32 s23, $0x2  }
0x41: {  	[sflag:s16] =	ssyncadd.s32 $0xFFFFF800;
	s23 =	smov.u32 s24;
	s26 =	sadd.s32 $0x200, s24  }
0x42: {  	[tilespmem:s15], [sflag:$0x1] =	stream.indirect.gather [spmem:s2], $0x10, s25, s20, $0xb8;
	[tilespmem:$0xDF00] =	vst v63  }
0x43: {  	p0 =	sne.s32 s24, $0x9C00;
	_ =	swait.ge [sflag:s21], $0x800  }
.Ltmp1:
0x44: {  	[sflag:s21] =	ssyncset.done $0x0;
	(pc) =	sbr.rel @p0 .LBB2_4-.Ltmp1, $4  }
0x45: {  	s24 =	sadd.s32 $0x2800, s25;
	[sflag:s21] =	ssyncadd.s32 $0xFFFFF800  }
0x46: {  	[spmem:s3] =	stream.indirect.scatter.add.f32 [tilespmem:s15], [sflag:$0x2], $0x10, s24, s20, $0xb8;
	[tilespmem:$0xDF00] =	vst v63  }
0x47: {  	_ =	swait.ge [sflag:s16], $0x800  }
0x48: {  	s24 =	smov.u32 s26;
	[sflag:s16] =	ssyncset.done $0x0  }
0x49: {  	s23 =	sshra.s32 s23, $0x2;
	[sflag:s16] =	ssyncadd.s32 $0xFFFFF800  }
0x4a: {  	[tilespmem:s15], [sflag:$0x1] =	stream.indirect.gather [spmem:s2], $0x10, s23, s20, $0xb8;
	[tilespmem:$0xDF00] =	vst v63  }
0x4b: {  	_ =	swait.ge [sflag:s21], $0x800  }
0x4c: {  	[sflag:s21] =	ssyncset.done $0x0  }
0x4d: {  	s23 =	sadd.s32 $0x2800, s23;
	[sflag:s21] =	ssyncadd.s32 $0xFFFFF800  }
0x4e: {  	[spmem:s3] =	stream.indirect.scatter.add.f32 [tilespmem:s15], [sflag:$0x2], $0x10, s23, s20, $0xb8;
	[tilespmem:$0xDF00] =	vst v63  }
0x4f: {  	_ =	swait.ge [sflag:s16], $0x800  }
0x50: {  	s4 =	sadd.s32 $0x1, s4;
	[sflag:s16] =	ssyncset.done $0x0  }
0x51: {  	p0 =	sne.s32 s4, s11;
	[sflag:s16] =	ssyncadd.s32 $0xFFFFF800  }
.Ltmp2:
0x52: {  	[bflag:$0x0] =	sbarrier.arrive $0xFFFF;
	(pc) =	sbr.rel @p0 .LBB2_1-.Ltmp2, $4  }
0x53: {  	[hbm:s10], [sflag:s17] =	dma.local [spmem:s22], $0x2780  }
0x54: {  	_ =	swait.ge [sflag:s16], $0x2780  }
0x55: {  	[sflag:s16] =	ssyncset.done $0x0  }
0x56: {  	[sflag:s16] =	ssyncadd.s32 $0xFFFFD880  }
0x57: {  	_ =	sfence.sel $0x180000  }
0x58: {  	[bflag:$0x0] =	sbarrier.arrive $0xFFFF  }
0x59: {  	p0 =	sne.s32 s0, $0x0;
	_ =	strace $0x9000004A  }
0x5a: {  	s0 =	sadd.s32 @!p0 $0x100000, s1;
	[bflag:$0x2] =	sbarrier.arrive $0xFFFF  }
0x5b: {  	[sflag:s0] =	ssyncadd.tile.s32 @!p0 $0x1;
	_ =	shalt  }
.Lfunc_end2:
_tile_overlayer_lowered:
.L_overlay_start_2:
0x5c: {  	(tag) =	ssettag $0x2  }
0x5d: {  	s0 =	rddreg [dreg:$0x0];
	s2 =	stileid.u32  }
0x5e: {  	s1 =	rddreg [dreg:$0x1];
	p0 =	sne.s32 s2, $0x0  }
0x5f: {  	s3 =	rddreg [dreg:$0x2];
	[bflag:$0x3] =	sbarrier.arrive $0xFFFF;
	s2 =	simm.s32 @!p0 $0x1C02  }
0x60: {  	[timem:s3], [sflag:s2] =	dma.local @!p0 [hbm:s0], s1  }
0x61: {  	s0 =	simm.s32 @!p0 $0x2  }
0x62: {  	_ =	swait.ge @!p0 [sflag:s0], s1  }
0x63: {  	s1 =	ssub.s32 @!p0 $0x0, s1;
	[sflag:s0] =	ssyncset.done @!p0 $0x0  }
0x64: {  	[sflag:s0] =	ssyncadd.s32 @!p0 s1  }
0x65: {  	[bflag:$0x3] =	sbarrier.arrive $0xFFFF  }
0x66: {  	_ =	shalt  }

// kernel: kernel.14.cloned.1.call-start
scs
__scs_entry_jumppad:
0x0: {  	(pc) =	sbr.rel $0x88, $3  }
0x1: {  	(tag) =	ssettag $0x0;
	lr =	simm.s32 $0x1  }
0x2: {  	[smem:$0x3F9B] =	sst lr;
	_ =	strace $0xD0000000  }
0x3: {  	_ = 	snop  }
0x4: {  	_ = 	snop  }
0x5: {  	_ = 	snop  }
0x6: {  	_ = 	snop  }
0x7: {  	_ = 	snop  }
__scs_overlays_trampoline_lowered:
0x8: {  	[smem:$0x3FAA] =	sst s0  }
0x9: {  	[smem:$0x3FAB] =	sst s1  }
0xa: {  	[smem:$0x3FAC] =	sst s2  }
0xb: {  	[smem:$0x3FAD] =	sst s3  }
0xc: {  	[smem:$0x3FAE] =	sst s4  }
0xd: {  	[smem:$0x3FAF] =	sst s5  }
0xe: {  	[smem:$0x3FB0] =	sst s6  }
0xf: {  	[smem:$0x3FB1] =	sst s7  }
0x10: {  	[smem:$0x3FB2] =	sst s8  }
0x11: {  	[smem:$0x3FB3] =	sst s9;
	s0 =	simm.s32 @!p0 $0x0  }
0x12: {  	s1 =	sld [smem:$0x3F99];
	s0 =	simm.s32 @p0 $0x1  }
0x13: {  	[smem:$0x3FB4] =	sst s0;
	s0 =	simm.s32 @!p1 $0x0  }
0x14: {  	s2 =	sld [smem:$0x3F98];
	s0 =	simm.s32 @p1 $0x1  }
0x15: {  	[smem:$0x3FB5] =	sst s0;
	s0 =	simm.s32 @!p2 $0x0  }
0x16: {  	s3 =	sld [smem:$0x3FDB];
	s0 =	simm.s32 @p2 $0x1  }
0x17: {  	s4 =	simm.s32 $0x1BF5;
	[smem:$0x3FB7] =	sst s0  }
0x18: {  	s0 =	sld [smem:$0x3F9A];
	_ =	swait.ge [sflag:s4], $0x0  }
0x19: {  	s7 =	sld [smem:$0x3F9B]  }
0x1a: {  	s8 =	sadd.s32 $0xFFFFE003, lr  }
0x1b: {  	s9 =	sadd.s32 $0xFFFFFEF7, lr;
	s5 =	simm.s32 $0xFFFFFFFF;
	p2 =	slt.u32 s8, $0xFFFFF086  }
0x1c: {  	p1 =	slt.u32 s9, $0xF7A;
	s5 =	simm.s32 @!p2 $0x0  }
0x1d: {  	s5 =	simm.s32 @p1 $0x1;
	p0 =	seq.s32 s7, s2  }
0x1e: {  	s7 =	smul.u32 @!p0 $0xF7A, s2;
	p2 =	seq.s32 @!p0 s5, $0x0  }
0x1f: {  	s9 =	smul.u32 $0xF7A, s1;
	s8 =	simm.s32 @!p0 $0x1BF5;
	p2 =	por !p2, p0  }
0x20: {  	[sflag:s8] =	ssyncset.s32 @!p0 $0xFFFFF086;
	s6 =	sadd.s32 @!p0 s3, s7;
	s7 =	simm.s32 @!p0 $0x108  }
0x21: {  	s3 =	sadd.s32 s3, s9;
	s6 =	sadd.s32 @!p0 $0x88, s6;
	s7 =	simm.s32 @p2 $0x1082  }
0x22: {  	[simem:s7], [sflag:s8] =	dma.local @!p0 [hbm:s6], $0xF7A  }
0x23: {  	s9 =	sor.u32 $0xD0000000, s2;
	s6 =	simm.s32 $0x108;
	_ =	swait.ge @!p0 [sflag:s8], $0x0  }
0x24: {  	s3 =	sadd.s32 $0x88, s3;
	s6 =	simm.s32 @!p1 $0x1082;
	[sflag:s4] =	ssyncset.s32 $0xFFFFF086  }
0x25: {  	[simem:s6], [sflag:s4] =	dma.local [hbm:s3], $0xF7A  }
0x26: {  	[smem:$0x3F9B] =	sst s1;
	(tag) =	ssettag s2;
	_ =	strace s9  }
0x27: {  	s1 =	sld [smem:$0x3FAB]  }
0x28: {  	s2 =	sld [smem:$0x3FAC]  }
0x29: {  	s4 =	sld [smem:$0x3FAE]  }
0x2a: {  	p0 =	seq.s32 s5, $0x0;
	s5 =	sld [smem:$0x3FAF]  }
0x2b: {  	s6 =	sld [smem:$0x3FB0]  }
0x2c: {  	s7 =	sld [smem:$0x3FB1]  }
0x2d: {  	s3 =	simm.s32 $0x108;
	s8 =	sld [smem:$0x3FB2]  }
0x2e: {  	s3 =	simm.s32 @!p0 $0x1082;
	s9 =	sld [smem:$0x3FB3]  }
0x2f: {  	lr =	sadd.s32 s0, s3;
	s0 =	sld [smem:$0x3FAA]  }
0x30: {  	s3 =	sld [smem:$0x3FAD]  }
0x31: {  	[smem:$0x3FB6] =	sst s10  }
0x32: {  	s10 =	sld [smem:$0x3FB4];
	_ =	sdelay $0x3  }
0x33: {  	p0 =	seq.s32 s10, $0x1;
	s10 =	sld [smem:$0x3FB6];
	_ =	sdelay $0x3  }
0x34: {  	[smem:$0x3FB6] =	sst s10  }
0x35: {  	s10 =	sld [smem:$0x3FB5];
	_ =	sdelay $0x3  }
0x36: {  	p1 =	seq.s32 s10, $0x1;
	s10 =	sld [smem:$0x3FB6];
	_ =	sdelay $0x3  }
0x37: {  	[smem:$0x3FB6] =	sst s10  }
0x38: {  	s10 =	sld [smem:$0x3FB7]  }
0x39: {  	_ = 	snop;
	(pc) =	sbr.ind lr, $3  }
0x3a: {  	_ = 	snop  }
0x3b: {  	_ = 	snop  }
0x3c: {  	p2 =	seq.s32 s10, $0x1;
	s10 =	sld [smem:$0x3FB6]  }
0x3d: {  	_ =	shalt  }
0x3e: {  	_ =	shalt  }
0x3f: {  	_ =	shalt  }
0x40: {  	_ =	shalt  }
0x41: {  	_ =	shalt  }
0x42: {  	_ =	shalt  }
0x43: {  	_ =	shalt  }
0x44: {  	_ =	shalt  }
0x45: {  	_ =	shalt  }
0x46: {  	_ =	shalt  }
0x47: {  	_ =	shalt  }
0x48: {  	_ =	shalt  }
0x49: {  	_ =	shalt  }
0x4a: {  	_ =	shalt  }
0x4b: {  	_ =	shalt  }
0x4c: {  	_ =	shalt  }
0x4d: {  	_ =	shalt  }
0x4e: {  	_ =	shalt  }
0x4f: {  	_ =	shalt  }
0x50: {  	_ =	shalt  }
0x51: {  	_ =	shalt  }
0x52: {  	_ =	shalt  }
0x53: {  	_ =	shalt  }
0x54: {  	_ =	shalt  }
0x55: {  	_ =	shalt  }
0x56: {  	_ =	shalt  }
0x57: {  	_ =	shalt  }
0x58: {  	_ =	shalt  }
0x59: {  	_ =	shalt  }
0x5a: {  	_ =	shalt  }
0x5b: {  	_ =	shalt  }
0x5c: {  	_ =	shalt  }
0x5d: {  	_ =	shalt  }
0x5e: {  	_ =	shalt  }
0x5f: {  	_ =	shalt  }
0x60: {  	_ =	shalt  }
0x61: {  	_ =	shalt  }
0x62: {  	_ =	shalt  }
0x63: {  	_ =	shalt  }
0x64: {  	_ =	shalt  }
0x65: {  	_ =	shalt  }
0x66: {  	_ =	shalt  }
0x67: {  	_ =	shalt  }
0x68: {  	_ =	shalt  }
0x69: {  	_ =	shalt  }
0x6a: {  	_ =	shalt  }
0x6b: {  	_ =	shalt  }
0x6c: {  	_ =	shalt  }
0x6d: {  	_ =	shalt  }
0x6e: {  	_ =	shalt  }
0x6f: {  	_ =	shalt  }
0x70: {  	_ =	shalt  }
0x71: {  	_ =	shalt  }
0x72: {  	_ =	shalt  }
0x73: {  	_ =	shalt  }
0x74: {  	_ =	shalt  }
0x75: {  	_ =	shalt  }
0x76: {  	_ =	shalt  }
0x77: {  	_ =	shalt  }
0x78: {  	_ =	shalt  }
0x79: {  	_ =	shalt  }
0x7a: {  	_ =	shalt  }
0x7b: {  	_ =	shalt  }
0x7c: {  	_ =	shalt  }
0x7d: {  	_ =	shalt  }
0x7e: {  	_ =	shalt  }
0x7f: {  	_ =	shalt  }
0x80: {  	_ =	shalt  }
0x81: {  	_ =	shalt  }
0x82: {  	_ =	shalt  }
0x83: {  	_ =	shalt  }
0x84: {  	_ =	shalt  }
0x85: {  	_ =	shalt  }
0x86: {  	_ =	shalt  }
0x87: {  	_ =	shalt  }
.Lfunc_end0:
.L_simem_size_0:
called_computation.2_lowered:
.L_overlay_start_0:
0x88: {  	s2 =	sld [smem:$0x3FD9]  }
0x89: {  	s3 =	sld [smem:$0x3FFE];
	_ =	sdelay $0x1  }
0x8a: {  	s1 =	srdreg.scid  }
0x8b: {  	s0 =	sand.u32 $0x1, s1  }
0x8c: {  	s16 =	sshll.u32 s0, $0xA;
	s2 =	sadd.s32 s3, s2  }
0x8d: {  	s2 =	sadd.s32 s2, s16  }
0x8e: {  	[smem:$0x3FC2] =	sst s2  }
0x8f: {  	_ = 	snop  }
0x90: {  	(tm) =	ssettm $0x1  }
0x91: {  	s17 =	sld [smem:$0x3FFB];
	_ =	sdelay $0x3  }
0x92: {  	_ =	strace s17  }
0x93: {  	s2 =	sld [smem:$0x3FFC];
	_ =	sdelay $0x3  }
0x94: {  	_ =	strace s2  }
0x95: {  	s2 =	sld [smem:$0x3FFD];
	_ =	sdelay $0x3  }
0x96: {  	_ =	strace s2  }
0x97: {  	_ =	strace $0x8FFFFFFF  }
0x98: {  	s18 =	sld [smem:$0x3FDB];
	_ =	sdelay $0x1  }
0x99: {  	s19 =	simm.s32 $_scs_section_size  }
0x9a: {  	s4 =	simm.s32 $_size__tile_overlayer_lowered;
	s5 =	simm.s32 $_tile_overlayer_lowered  }
0x9b: {  	s22 =	simm.s32 $0x1BFF;
	s21 =	sshll.u32 s5, $0x1;
	s2 =	sadd.s32 s19, s18  }
0x9c: {  	s6 =	simm.s32 $0x0;
	s20 =	sshll.u32 s4, $0x1;
	s4 =	sadd.s32 s21, s2  }
0x9d: {  	[timem:s6], [sflag:s22] =	dma.local [hbm:s4], s20  }
0x9e: {  	_ =	swait.ge [sflag:s22], s20  }
0x9f: {  	s3 =	ssub.s32 $0x0, s20;
	[sflag:s22] =	ssyncset.done $0x0  }
0xa0: {  	[sflag:s22] =	ssyncadd.s32 s3;
	_ =	sdelay $0x1  }
0xa1: {  	s23 =	simm.s32 $0x1B8B  }
0xa2: {  	_ =	swait.ge [sflag:s23], $0x1  }
0xa3: {  	[sflag:s23] =	ssyncset.done $0x0  }
0xa4: {  	s25 =	simm.s32 $0x1B8E;
	s24 =	sld [smem:$0x3FFE];
	[sflag:s23] =	ssyncadd.s32 $0xFFFFFFFF  }
0xa5: {  	s26 =	simm.s32 $execute0_lowered;
	[smem:$0x3FD2] =	sst s25  }
0xa6: {  	s4 =	sshll.u32 s26, $0x1;
	_ =	strace $0x8000004C;
	[dreg:$0x1] =	wrdreg $0xFFFFFFFF  }
0xa7: {  	s28 =	simm.s32 $_size_execute0_lowered;
	s2 =	sadd.s32 s2, s4;
	[dreg:$0x0] =	wrdreg $0x0  }
0xa8: {  	s4 =	sshll.u32 s28, $0x1;
	[dreg:$0x2] =	wrdreg s2  }
0xa9: {  	[dreg:$0x3] =	wrdreg s4  }
0xaa: {  	[dreg:$0x4] =	wrdreg $0xC0  }
0xab: {  	_ =	task [dreg:s6], $0x5FFFF  }
0xac: {  	[dreg:$0x1] =	wrdreg $0xFFFFFFFF  }
0xad: {  	[dreg:$0x0] =	wrdreg $0x60  }
0xae: {  	[dreg:$0x2] =	wrdreg s24  }
0xaf: {  	[dreg:$0x3] =	wrdreg $0x90000  }
0xb0: {  	[dreg:$0x4] =	wrdreg $0xB7800  }
0xb1: {  	[dreg:$0x5] =	wrdreg $0x9  }
0xb2: {  	_ =	task.clear_ibuf [dreg:s6], $0x6FFFF;
	_ =	strace $0x9000004C  }
0xb3: {  	s29 =	simm.s32 $0x9;
	_ =	strace $0x8000004E  }
0xb4: {  	_ =	swait.ge [sflag:s29], $0x1  }
0xb5: {  	[sflag:s29] =	ssyncadd.s32 $0xFFFFFFFF  }
0xb6: {  	_ =	strace $0x9000004E  }
0xb7: {  	_ =	sfence  }
0xb8: {  	s30 =	sld [smem:$0x0];
	_ =	sdelay $0x2  }
0xb9: {  	s31 =	sshll.u32 s1, $0xD;
	s1 =	sshrl.u32 s1, $0x2  }
0xba: {  	s3 =	sand.u32 $0x4000, s31;
	s1 =	sadd.s32 s1, s30  }
0xbb: {  	s0 =	sor.u32 s3, s0;
	s1 =	sshll.u32 s1, $0x11  }
0xbc: {  	s0 =	sor.u32 s1, s0  }
0xbd: {  	s0 =	sadd.s32 $0x8F2B, s0  }
0xbe: {  	[sflag:s0] =	ssyncadd.remote.s32 $0x1  }
0xbf: {  	_ =	sfence.sel $0xFFFF  }
0xc0: {  	[dreg:$0x0] =	wrdreg $0xFFFFFFFF;
	(pc) =	sbr.abs _section_cstart, $3  }
0xc1: {  	[dreg:$0x1] =	wrdreg $0xFFFFFFFF  }
0xc2: {  	_ =	task.clear_ibuf [dreg:s6], $0x2FFFF;
	_ =	strace $0x9FFFFFFF  }
0xc3: {  	(tm) =	ssettm $0x7FFFFFFF  }
tec
execute0_lowered:
.L_overlay_start_1:
0x0: {  	(tag) =	ssettag $0x1  }
0x1: {  	s5 =	rddreg [dreg:$0x0]  }
0x2: {  	s0 =	stileid.u32;
	s2 =	rddreg [dreg:$0x1]  }
0x3: {  	s1 =	srdreg.scid;
	s3 =	rddreg [dreg:$0x2]  }
0x4: {  	s4 =	simm.s32 $0x0;
	s15 =	simm.s32 $0x5000;
	s16 =	simm.s32 $0x2  }
0x5: {  	s19 =	simm.s32 $0x2800;
	s20 =	simm.s32 $0x80;
	s21 =	simm.s32 $0x1  }
0x6: {  	s6 =	sand.u32 $0x1, s1;
	s11 =	smul.u32 $0x13C00, s0;
	s1 =	rddreg [dreg:$0x3]  }
0x7: {  	s26 =	sshll.u32 s0, $0x1;
	[smem:$0x7FF] =	sst s4;
	s10 =	smul.u32 $0x4F000, s0  }
0x8: {  	s17 =	sshll.u32 s0, $0x6;
	s7 =	sor.u32 s6, s26;
	s8 =	smul.u32 $0x13C000, s6  }
0x9: {  	_ =	strace $0x8000004D;
	s6 =	ssub.s32 $0x2, s6;
	s17 =	sor.u32 $0x1C02, s17  }
0xa: {  	s7 =	smul.u32 $0x500, s7;
	s9 =	sshrl.u32 s11, $0x3;
	s29 =	sshrl.u32 s10, $0x2  }
0xb: {  	s31 =	sshrl.u32 s6, $0x1;
	s18 =	sadd.s32 s11, s2;
	s22 =	sadd.s32 s11, s3  }
0xc: {  	s9 =	sadd.s32 s9, s5;
	s28 =	sadd.s32 s11, s8;
	s13 =	ssub.s32 s6, s31  }
0xd: {  	s18 =	sshrl.u32 s18, $0x3;
	s12 =	sadd.s32 s7, s5;
	s7 =	sshrl.u32 s28, $0x3  }
0xe: {  	s22 =	sshrl.u32 s22, $0x3;
	s11 =	smax.u32 s13, $0x1;
	s30 =	sadd.s32 s7, s5  }
0xf: {  	s5 =	sadd.s32 s29, s3;
	s7 =	sadd.s32 $0x65400, s9;
	s8 =	sadd.s32 $0x5B400, s12  }
0x10: {  	s9 =	sadd.s32 $0x2400, s12;
	s6 =	sadd.s32 $0x10000, s5;
	s10 =	sadd.s32 $0x8CC00, s30  }
0x11: {  	v0 =	vimm.f32 $0.0e+00;
	s12 =	sadd.s32 $0x4000, s5;
	s13 =	sadd.s32 $0x8000, s5;
	s14 =	sadd.s32 $0xC000, s5  }
.LBB2_1:
0x12: {  	s23 =	simm.s32 $0x200;
	s24 =	simm.s32 $0x0  }
.LBB2_2:
0x13: {  	p0 =	sne.s32 s23, $0xFE00;
	[tilespmem:s24+$0x5000] =	vst v0;
	s24 =	smov.u32 s23;
	s23 =	sadd.s32 $0x200, s23  }
.Ltmp0:
0x14: {  	(pc) =	sbr.rel @p0 .LBB2_2-.Ltmp0, $2  }
0x15: {  	_ =	sdelay $0x2  }
0x16: {  	s24 =	sshra.s32 s24, $0x2  }
0x17: {  	[tilespmem:s24+$0x5000] =	vst v0  }
0x18: {  	[spmem:s5] =	stream.linear.scatter [tilespmem:s15], [sflag:$0x2], $0x4000, $0x38;
	[tilespmem:$0xDF00] =	vst v63  }
0x19: {  	_ =	swait.ge [sflag:s16], $0x4000  }
0x1a: {  	[sflag:s16] =	ssyncset.done $0x0  }
0x1b: {  	[sflag:s16] =	ssyncadd.s32 $0xFFFFC000  }
0x1c: {  	[spmem:s12] =	stream.linear.scatter [tilespmem:s15], [sflag:$0x2], $0x4000, $0x38;
	[tilespmem:$0xDF00] =	vst v63  }
0x1d: {  	_ =	swait.ge [sflag:s16], $0x4000  }
0x1e: {  	[sflag:s16] =	ssyncset.done $0x0  }
0x1f: {  	[sflag:s16] =	ssyncadd.s32 $0xFFFFC000  }
0x20: {  	[spmem:s13] =	stream.linear.scatter [tilespmem:s15], [sflag:$0x2], $0x4000, $0x38;
	[tilespmem:$0xDF00] =	vst v63  }
0x21: {  	_ =	swait.ge [sflag:s16], $0x4000  }
0x22: {  	[sflag:s16] =	ssyncset.done $0x0  }
0x23: {  	[sflag:s16] =	ssyncadd.s32 $0xFFFFC000  }
0x24: {  	[spmem:s14] =	stream.linear.scatter [tilespmem:s15], [sflag:$0x2], $0x4000, $0x38;
	[tilespmem:$0xDF00] =	vst v63  }
0x25: {  	_ =	swait.ge [sflag:s16], $0x4000  }
0x26: {  	[sflag:s16] =	ssyncset.done $0x0  }
0x27: {  	[sflag:s16] =	ssyncadd.s32 $0xFFFFC000  }
0x28: {  	[spmem:s6] =	stream.linear.scatter [tilespmem:s15], [sflag:$0x2], $0x3C00, $0x38;
	[tilespmem:$0xDF00] =	vst v63  }
0x29: {  	_ =	swait.ge [sflag:s16], $0x3C00  }
0x2a: {  	[sflag:s16] =	ssyncset.done $0x0  }
0x2b: {  	[sflag:s16] =	ssyncadd.s32 $0xFFFFC400  }
0x2c: {  	[spmem:s18], [sflag:s17] =	dma.local [hbm:s7], $0x2780  }
0x2d: {  	_ =	swait.ge [sflag:s16], $0x2780  }
0x2e: {  	[sflag:s16] =	ssyncset.done $0x0  }
0x2f: {  	s23 =	simm.s32 $0x0;
	[sflag:s16] =	ssyncadd.s32 $0xFFFFD880  }
0x30: {  	[tilespmem:s23], [sflag:$0x2] =	stream.linear.gather [hbm4b:s8+s23], $0x2780, $0x38;
	[tilespmem:$0xDF00] =	vst v63  }
0x31: {  	_ =	swait.ge [sflag:s16], $0x2780  }
0x32: {  	[sflag:s16] =	ssyncset.done $0x0  }
0x33: {  	[sflag:s16] =	ssyncadd.s32 $0xFFFFD880  }
0x34: {  	[tilespmem:s19], [sflag:$0x2] =	stream.linear.gather [hbm4b:s9+s23], $0x2780, $0x38;
	[tilespmem:$0xDF00] =	vst v63  }
0x35: {  	_ =	swait.ge [sflag:s16], $0x2780  }
0x36: {  	[sflag:s16] =	ssyncset.done $0x0  }
0x37: {  	[sflag:s16] =	ssyncadd.s32 $0xFFFFD880  }
0x38: {  	s30 =	simm.s32 $0x0;
	[bflag:$0x0] =	sbarrier.arrive $0xFFFF  }
0x39: {  	[tilespmem:s15], [sflag:$0x1] =	stream.indirect.gather [spmem:s2], $0x10, s30, s20, $0xb8;
	[tilespmem:$0xDF00] =	vst v63  }
0x3a: {  	_ =	swait.ge [sflag:s21], $0x800  }
0x3b: {  	[sflag:s21] =	ssyncset.done $0x0  }
0x3c: {  	s31 =	simm.s32 $0x2800;
	[sflag:s21] =	ssyncadd.s32 $0xFFFFF800  }
0x3d: {  	[spmem:s3] =	stream.indirect.scatter.add.f32 [tilespmem:s15], [sflag:$0x2], $0x10, s31, s20, $0xb8;
	[tilespmem:$0xDF00] =	vst v63  }
0x3e: {  	_ =	swait.ge [sflag:s16], $0x800  }
0x3f: {  	s24 =	simm.s32 $0x400;
	s23 =	simm.s32 $0x200;
	[sflag:s16] =	ssyncset.done $0x0  }
.LBB2_4:
0x40: {  	s25 =	sshra.s32 s23, $0x2  }
0x41: {  	[sflag:s16] =	ssyncadd.s32 $0xFFFFF800;
	s23 =	smov.u32 s24;
	s26 =	sadd.s32 $0x200, s24  }
0x42: {  	[tilespmem:s15], [sflag:$0x1] =	stream.indirect.gather [spmem:s2], $0x10, s25, s20, $0xb8;
	[tilespmem:$0xDF00] =	vst v63  }
0x43: {  	p0 =	sne.s32 s24, $0x9C00;
	_ =	swait.ge [sflag:s21], $0x800  }
.Ltmp1:
0x44: {  	[sflag:s21] =	ssyncset.done $0x0;
	(pc) =	sbr.rel @p0 .LBB2_4-.Ltmp1, $4  }
0x45: {  	s24 =	sadd.s32 $0x2800, s25;
	[sflag:s21] =	ssyncadd.s32 $0xFFFFF800  }
0x46: {  	[spmem:s3] =	stream.indirect.scatter.add.f32 [tilespmem:s15], [sflag:$0x2], $0x10, s24, s20, $0xb8;
	[tilespmem:$0xDF00] =	vst v63  }
0x47: {  	_ =	swait.ge [sflag:s16], $0x800  }
0x48: {  	s24 =	smov.u32 s26;
	[sflag:s16] =	ssyncset.done $0x0  }
0x49: {  	s23 =	sshra.s32 s23, $0x2;
	[sflag:s16] =	ssyncadd.s32 $0xFFFFF800  }
0x4a: {  	[tilespmem:s15], [sflag:$0x1] =	stream.indirect.gather [spmem:s2], $0x10, s23, s20, $0xb8;
	[tilespmem:$0xDF00] =	vst v63  }
0x4b: {  	_ =	swait.ge [sflag:s21], $0x800  }
0x4c: {  	[sflag:s21] =	ssyncset.done $0x0  }
0x4d: {  	s23 =	sadd.s32 $0x2800, s23;
	[sflag:s21] =	ssyncadd.s32 $0xFFFFF800  }
0x4e: {  	[spmem:s3] =	stream.indirect.scatter.add.f32 [tilespmem:s15], [sflag:$0x2], $0x10, s23, s20, $0xb8;
	[tilespmem:$0xDF00] =	vst v63  }
0x4f: {  	_ =	swait.ge [sflag:s16], $0x800  }
0x50: {  	s4 =	sadd.s32 $0x1, s4;
	[sflag:s16] =	ssyncset.done $0x0  }
0x51: {  	p0 =	sne.s32 s4, s11;
	[sflag:s16] =	ssyncadd.s32 $0xFFFFF800  }
.Ltmp2:
0x52: {  	[bflag:$0x0] =	sbarrier.arrive $0xFFFF;
	(pc) =	sbr.rel @p0 .LBB2_1-.Ltmp2, $4  }
0x53: {  	[hbm:s10], [sflag:s17] =	dma.local [spmem:s22], $0x2780  }
0x54: {  	_ =	swait.ge [sflag:s16], $0x2780  }
0x55: {  	[sflag:s16] =	ssyncset.done $0x0  }
0x56: {  	[sflag:s16] =	ssyncadd.s32 $0xFFFFD880  }
0x57: {  	_ =	sfence.sel $0x180000  }
0x58: {  	[bflag:$0x0] =	sbarrier.arrive $0xFFFF  }
0x59: {  	p0 =	sne.s32 s0, $0x0;
	_ =	strace $0x9000004D  }
0x5a: {  	s0 =	sadd.s32 @!p0 $0x100000, s1;
	[bflag:$0x2] =	sbarrier.arrive $0xFFFF  }
0x5b: {  	[sflag:s0] =	ssyncadd.tile.s32 @!p0 $0x1;
	_ =	shalt  }
.Lfunc_end2:
_tile_overlayer_lowered:
.L_overlay_start_2:
0x5c: {  	(tag) =	ssettag $0x2  }
0x5d: {  	s0 =	rddreg [dreg:$0x0];
	s2 =	stileid.u32  }
0x5e: {  	s1 =	rddreg [dreg:$0x1];
	p0 =	sne.s32 s2, $0x0  }
0x5f: {  	s3 =	rddreg [dreg:$0x2];
	[bflag:$0x3] =	sbarrier.arrive $0xFFFF;
	s2 =	simm.s32 @!p0 $0x1C02  }
0x60: {  	[timem:s3], [sflag:s2] =	dma.local @!p0 [hbm:s0], s1  }
0x61: {  	s0 =	simm.s32 @!p0 $0x2  }
0x62: {  	_ =	swait.ge @!p0 [sflag:s0], s1  }
0x63: {  	s1 =	ssub.s32 @!p0 $0x0, s1;
	[sflag:s0] =	ssyncset.done @!p0 $0x0  }
0x64: {  	[sflag:s0] =	ssyncadd.s32 @!p0 s1  }
0x65: {  	[bflag:$0x3] =	sbarrier.arrive $0xFFFF  }
0x66: {  	_ =	shalt  }

// kernel: kernel.8.cloned.1.call-start
scs
__scs_entry_jumppad:
0x0: {  	(pc) =	sbr.rel $0x88, $3  }
0x1: {  	(tag) =	ssettag $0x0;
	lr =	simm.s32 $0x1  }
0x2: {  	[smem:$0x3F9B] =	sst lr;
	_ =	strace $0xD0000000  }
0x3: {  	_ = 	snop  }
0x4: {  	_ = 	snop  }
0x5: {  	_ = 	snop  }
0x6: {  	_ = 	snop  }
0x7: {  	_ = 	snop  }
__scs_overlays_trampoline_lowered:
0x8: {  	[smem:$0x3FAA] =	sst s0  }
0x9: {  	[smem:$0x3FAB] =	sst s1  }
0xa: {  	[smem:$0x3FAC] =	sst s2  }
0xb: {  	[smem:$0x3FAD] =	sst s3  }
0xc: {  	[smem:$0x3FAE] =	sst s4  }
0xd: {  	[smem:$0x3FAF] =	sst s5  }
0xe: {  	[smem:$0x3FB0] =	sst s6  }
0xf: {  	[smem:$0x3FB1] =	sst s7  }
0x10: {  	[smem:$0x3FB2] =	sst s8  }
0x11: {  	[smem:$0x3FB3] =	sst s9;
	s0 =	simm.s32 @!p0 $0x0  }
0x12: {  	s1 =	sld [smem:$0x3F99];
	s0 =	simm.s32 @p0 $0x1  }
0x13: {  	[smem:$0x3FB4] =	sst s0;
	s0 =	simm.s32 @!p1 $0x0  }
0x14: {  	s2 =	sld [smem:$0x3F98];
	s0 =	simm.s32 @p1 $0x1  }
0x15: {  	[smem:$0x3FB5] =	sst s0;
	s0 =	simm.s32 @!p2 $0x0  }
0x16: {  	s3 =	sld [smem:$0x3FDB];
	s0 =	simm.s32 @p2 $0x1  }
0x17: {  	s4 =	simm.s32 $0x1BF5;
	[smem:$0x3FB7] =	sst s0  }
0x18: {  	s0 =	sld [smem:$0x3F9A];
	_ =	swait.ge [sflag:s4], $0x0  }
0x19: {  	s7 =	sld [smem:$0x3F9B]  }
0x1a: {  	s8 =	sadd.s32 $0xFFFFE003, lr  }
0x1b: {  	s9 =	sadd.s32 $0xFFFFFEF7, lr;
	s5 =	simm.s32 $0xFFFFFFFF;
	p2 =	slt.u32 s8, $0xFFFFF086  }
0x1c: {  	p1 =	slt.u32 s9, $0xF7A;
	s5 =	simm.s32 @!p2 $0x0  }
0x1d: {  	s5 =	simm.s32 @p1 $0x1;
	p0 =	seq.s32 s7, s2  }
0x1e: {  	s7 =	smul.u32 @!p0 $0xF7A, s2;
	p2 =	seq.s32 @!p0 s5, $0x0  }
0x1f: {  	s9 =	smul.u32 $0xF7A, s1;
	s8 =	simm.s32 @!p0 $0x1BF5;
	p2 =	por !p2, p0  }
0x20: {  	[sflag:s8] =	ssyncset.s32 @!p0 $0xFFFFF086;
	s6 =	sadd.s32 @!p0 s3, s7;
	s7 =	simm.s32 @!p0 $0x108  }
0x21: {  	s3 =	sadd.s32 s3, s9;
	s6 =	sadd.s32 @!p0 $0x88, s6;
	s7 =	simm.s32 @p2 $0x1082  }
0x22: {  	[simem:s7], [sflag:s8] =	dma.local @!p0 [hbm:s6], $0xF7A  }
0x23: {  	s9 =	sor.u32 $0xD0000000, s2;
	s6 =	simm.s32 $0x108;
	_ =	swait.ge @!p0 [sflag:s8], $0x0  }
0x24: {  	s3 =	sadd.s32 $0x88, s3;
	s6 =	simm.s32 @!p1 $0x1082;
	[sflag:s4] =	ssyncset.s32 $0xFFFFF086  }
0x25: {  	[simem:s6], [sflag:s4] =	dma.local [hbm:s3], $0xF7A  }
0x26: {  	[smem:$0x3F9B] =	sst s1;
	(tag) =	ssettag s2;
	_ =	strace s9  }
0x27: {  	s1 =	sld [smem:$0x3FAB]  }
0x28: {  	s2 =	sld [smem:$0x3FAC]  }
0x29: {  	s4 =	sld [smem:$0x3FAE]  }
0x2a: {  	p0 =	seq.s32 s5, $0x0;
	s5 =	sld [smem:$0x3FAF]  }
0x2b: {  	s6 =	sld [smem:$0x3FB0]  }
0x2c: {  	s7 =	sld [smem:$0x3FB1]  }
0x2d: {  	s3 =	simm.s32 $0x108;
	s8 =	sld [smem:$0x3FB2]  }
0x2e: {  	s3 =	simm.s32 @!p0 $0x1082;
	s9 =	sld [smem:$0x3FB3]  }
0x2f: {  	lr =	sadd.s32 s0, s3;
	s0 =	sld [smem:$0x3FAA]  }
0x30: {  	s3 =	sld [smem:$0x3FAD]  }
0x31: {  	[smem:$0x3FB6] =	sst s10  }
0x32: {  	s10 =	sld [smem:$0x3FB4];
	_ =	sdelay $0x3  }
0x33: {  	p0 =	seq.s32 s10, $0x1;
	s10 =	sld [smem:$0x3FB6];
	_ =	sdelay $0x3  }
0x34: {  	[smem:$0x3FB6] =	sst s10  }
0x35: {  	s10 =	sld [smem:$0x3FB5];
	_ =	sdelay $0x3  }
0x36: {  	p1 =	seq.s32 s10, $0x1;
	s10 =	sld [smem:$0x3FB6];
	_ =	sdelay $0x3  }
0x37: {  	[smem:$0x3FB6] =	sst s10  }
0x38: {  	s10 =	sld [smem:$0x3FB7]  }
0x39: {  	_ = 	snop;
	(pc) =	sbr.ind lr, $3  }
0x3a: {  	_ = 	snop  }
0x3b: {  	_ = 	snop  }
0x3c: {  	p2 =	seq.s32 s10, $0x1;
	s10 =	sld [smem:$0x3FB6]  }
0x3d: {  	_ =	shalt  }
0x3e: {  	_ =	shalt  }
0x3f: {  	_ =	shalt  }
0x40: {  	_ =	shalt  }
0x41: {  	_ =	shalt  }
0x42: {  	_ =	shalt  }
0x43: {  	_ =	shalt  }
0x44: {  	_ =	shalt  }
0x45: {  	_ =	shalt  }
0x46: {  	_ =	shalt  }
0x47: {  	_ =	shalt  }
0x48: {  	_ =	shalt  }
0x49: {  	_ =	shalt  }
0x4a: {  	_ =	shalt  }
0x4b: {  	_ =	shalt  }
0x4c: {  	_ =	shalt  }
0x4d: {  	_ =	shalt  }
0x4e: {  	_ =	shalt  }
0x4f: {  	_ =	shalt  }
0x50: {  	_ =	shalt  }
0x51: {  	_ =	shalt  }
0x52: {  	_ =	shalt  }
0x53: {  	_ =	shalt  }
0x54: {  	_ =	shalt  }
0x55: {  	_ =	shalt  }
0x56: {  	_ =	shalt  }
0x57: {  	_ =	shalt  }
0x58: {  	_ =	shalt  }
0x59: {  	_ =	shalt  }
0x5a: {  	_ =	shalt  }
0x5b: {  	_ =	shalt  }
0x5c: {  	_ =	shalt  }
0x5d: {  	_ =	shalt  }
0x5e: {  	_ =	shalt  }
0x5f: {  	_ =	shalt  }
0x60: {  	_ =	shalt  }
0x61: {  	_ =	shalt  }
0x62: {  	_ =	shalt  }
0x63: {  	_ =	shalt  }
0x64: {  	_ =	shalt  }
0x65: {  	_ =	shalt  }
0x66: {  	_ =	shalt  }
0x67: {  	_ =	shalt  }
0x68: {  	_ =	shalt  }
0x69: {  	_ =	shalt  }
0x6a: {  	_ =	shalt  }
0x6b: {  	_ =	shalt  }
0x6c: {  	_ =	shalt  }
0x6d: {  	_ =	shalt  }
0x6e: {  	_ =	shalt  }
0x6f: {  	_ =	shalt  }
0x70: {  	_ =	shalt  }
0x71: {  	_ =	shalt  }
0x72: {  	_ =	shalt  }
0x73: {  	_ =	shalt  }
0x74: {  	_ =	shalt  }
0x75: {  	_ =	shalt  }
0x76: {  	_ =	shalt  }
0x77: {  	_ =	shalt  }
0x78: {  	_ =	shalt  }
0x79: {  	_ =	shalt  }
0x7a: {  	_ =	shalt  }
0x7b: {  	_ =	shalt  }
0x7c: {  	_ =	shalt  }
0x7d: {  	_ =	shalt  }
0x7e: {  	_ =	shalt  }
0x7f: {  	_ =	shalt  }
0x80: {  	_ =	shalt  }
0x81: {  	_ =	shalt  }
0x82: {  	_ =	shalt  }
0x83: {  	_ =	shalt  }
0x84: {  	_ =	shalt  }
0x85: {  	_ =	shalt  }
0x86: {  	_ =	shalt  }
0x87: {  	_ =	shalt  }
.Lfunc_end0:
.L_simem_size_0:
called_computation_lowered:
.L_overlay_start_0:
0x88: {  	s2 =	sld [smem:$0x3FD9]  }
0x89: {  	s3 =	sld [smem:$0x3FFE];
	_ =	sdelay $0x1  }
0x8a: {  	s1 =	srdreg.scid  }
0x8b: {  	s0 =	sand.u32 $0x1, s1  }
0x8c: {  	s16 =	sshll.u32 s0, $0xA;
	s2 =	sadd.s32 s3, s2  }
0x8d: {  	s2 =	sadd.s32 s2, s16  }
0x8e: {  	[smem:$0x3FC2] =	sst s2  }
0x8f: {  	_ = 	snop  }
0x90: {  	(tm) =	ssettm $0x1  }
0x91: {  	s17 =	sld [smem:$0x3FFB];
	_ =	sdelay $0x3  }
0x92: {  	_ =	strace s17  }
0x93: {  	s2 =	sld [smem:$0x3FFC];
	_ =	sdelay $0x3  }
0x94: {  	_ =	strace s2  }
0x95: {  	s2 =	sld [smem:$0x3FFD];
	_ =	sdelay $0x3  }
0x96: {  	_ =	strace s2  }
0x97: {  	_ =	strace $0x8FFFFFFF  }
0x98: {  	s18 =	sld [smem:$0x3FDB];
	_ =	sdelay $0x1  }
0x99: {  	s19 =	simm.s32 $_scs_section_size  }
0x9a: {  	s4 =	simm.s32 $_size__tile_overlayer_lowered;
	s5 =	simm.s32 $_tile_overlayer_lowered  }
0x9b: {  	s22 =	simm.s32 $0x1BFF;
	s21 =	sshll.u32 s5, $0x1;
	s2 =	sadd.s32 s19, s18  }
0x9c: {  	s6 =	simm.s32 $0x0;
	s20 =	sshll.u32 s4, $0x1;
	s4 =	sadd.s32 s21, s2  }
0x9d: {  	[timem:s6], [sflag:s22] =	dma.local [hbm:s4], s20  }
0x9e: {  	_ =	swait.ge [sflag:s22], s20  }
0x9f: {  	s3 =	ssub.s32 $0x0, s20;
	[sflag:s22] =	ssyncset.done $0x0  }
0xa0: {  	[sflag:s22] =	ssyncadd.s32 s3;
	_ =	sdelay $0x1  }
0xa1: {  	s23 =	simm.s32 $0x1B8B  }
0xa2: {  	_ =	swait.ge [sflag:s23], $0x1  }
0xa3: {  	[sflag:s23] =	ssyncset.done $0x0  }
0xa4: {  	s25 =	simm.s32 $0x1B8E;
	s24 =	sld [smem:$0x3FFE];
	[sflag:s23] =	ssyncadd.s32 $0xFFFFFFFF  }
0xa5: {  	s26 =	simm.s32 $execute0_lowered;
	[smem:$0x3FD2] =	sst s25  }
0xa6: {  	s4 =	sshll.u32 s26, $0x1;
	_ =	strace $0x80000046;
	[dreg:$0x1] =	wrdreg $0xFFFFFFFF  }
0xa7: {  	s28 =	simm.s32 $_size_execute0_lowered;
	s2 =	sadd.s32 s2, s4;
	[dreg:$0x0] =	wrdreg $0x0  }
0xa8: {  	s4 =	sshll.u32 s28, $0x1;
	[dreg:$0x2] =	wrdreg s2  }
0xa9: {  	[dreg:$0x3] =	wrdreg s4  }
0xaa: {  	[dreg:$0x4] =	wrdreg $0xC0  }
0xab: {  	_ =	task [dreg:s6], $0x5FFFF  }
0xac: {  	[dreg:$0x1] =	wrdreg $0xFFFFFFFF  }
0xad: {  	[dreg:$0x0] =	wrdreg $0x60  }
0xae: {  	[dreg:$0x2] =	wrdreg s24  }
0xaf: {  	[dreg:$0x3] =	wrdreg $0x68000  }
0xb0: {  	[dreg:$0x4] =	wrdreg $0x9  }
0xb1: {  	_ =	task.clear_ibuf [dreg:s6], $0x5FFFF;
	_ =	strace $0x90000046  }
0xb2: {  	s29 =	simm.s32 $0x9;
	_ =	strace $0x80000048  }
0xb3: {  	_ =	swait.ge [sflag:s29], $0x1  }
0xb4: {  	[sflag:s29] =	ssyncadd.s32 $0xFFFFFFFF  }
0xb5: {  	_ =	strace $0x90000048  }
0xb6: {  	_ =	sfence  }
0xb7: {  	s30 =	sld [smem:$0x0];
	_ =	sdelay $0x2  }
0xb8: {  	s31 =	sshll.u32 s1, $0xD;
	s1 =	sshrl.u32 s1, $0x2  }
0xb9: {  	s3 =	sand.u32 $0x4000, s31;
	s1 =	sadd.s32 s1, s30  }
0xba: {  	s0 =	sor.u32 s3, s0;
	s1 =	sshll.u32 s1, $0x11  }
0xbb: {  	s0 =	sor.u32 s1, s0  }
0xbc: {  	s0 =	sadd.s32 $0x8F2B, s0  }
0xbd: {  	[sflag:s0] =	ssyncadd.remote.s32 $0x1  }
0xbe: {  	_ =	sfence.sel $0xFFFF  }
0xbf: {  	[dreg:$0x0] =	wrdreg $0xFFFFFFFF;
	(pc) =	sbr.abs _section_cstart, $3  }
0xc0: {  	[dreg:$0x1] =	wrdreg $0xFFFFFFFF  }
0xc1: {  	_ =	task.clear_ibuf [dreg:s6], $0x2FFFF;
	_ =	strace $0x9FFFFFFF  }
0xc2: {  	(tm) =	ssettm $0x7FFFFFFF  }
0xc3: {  	_ =	shalt  }
tec
execute0_lowered:
.L_overlay_start_1:
0x0: {  	(tag) =	ssettag $0x1  }
0x1: {  	s1 =	srdreg.scid;
	s5 =	rddreg [dreg:$0x0]  }
0x2: {  	s0 =	stileid.u32;
	s2 =	rddreg [dreg:$0x1]  }
0x3: {  	s3 =	simm.s32 $0x0;
	s12 =	simm.s32 $0x2800;
	s13 =	simm.s32 $0x1  }
0x4: {  	s14 =	simm.s32 $0x80;
	s4 =	sand.u32 $0x1, s1;
	s8 =	smul.u32 $0x13C00, s0  }
0x5: {  	s28 =	sshll.u32 s0, $0x1;
	[smem:$0x7FF] =	sst s3;
	s9 =	smul.u32 $0x4F000, s0  }
0x6: {  	s15 =	sshll.u32 s0, $0x6;
	s1 =	sor.u32 s4, s28;
	s7 =	smul.u32 $0x13C000, s4  }
0x7: {  	s29 =	ssub.s32 $0x2, s4;
	s15 =	sor.u32 $0x1C01, s15;
	s6 =	smul.u32 $0x500, s1  }
0x8: {  	s1 =	rddreg [dreg:$0x2];
	_ =	strace $0x80000047;
	s30 =	sshrl.u32 s9, $0x2  }
0x9: {  	s31 =	sshrl.u32 s29, $0x1;
	s7 =	sadd.s32 s8, s7;
	s4 =	sadd.s32 s30, s2  }
0xa: {  	s8 =	ssub.s32 s29, s31;
	s6 =	sadd.s32 s6, s5;
	s7 =	sshrl.u32 s7, $0x3  }
0xb: {  	s8 =	smax.u32 s8, $0x1;
	s9 =	sadd.s32 $0x4000, s4;
	s10 =	sadd.s32 $0x8000, s4  }
0xc: {  	s11 =	sadd.s32 $0xC000, s4;
	s16 =	sshrl.u32 s4, $0x3;
	s7 =	sadd.s32 s7, s5  }
0xd: {  	v0 =	vimm.f32 $0.0e+00;
	v1 =	vimm.f32 $1.000000000e+00;
	s5 =	sadd.s32 $0x10000, s4;
	s6 =	sadd.s32 $0x2400, s6;
	s7 =	sadd.s32 $0xC400, s7  }
.LBB2_1:
0xe: {  	s17 =	simm.s32 $0x200;
	s18 =	simm.s32 $0x0  }
.LBB2_2:
0xf: {  	p0 =	sne.s32 s17, $0xFE00;
	[tilespmem:s18+$0x2800] =	vst v0;
	s18 =	smov.u32 s17;
	s17 =	sadd.s32 $0x200, s17  }
.Ltmp0:
0x10: {  	(pc) =	sbr.rel @p0 .LBB2_2-.Ltmp0, $2  }
0x11: {  	_ =	sdelay $0x2  }
0x12: {  	s18 =	sshra.s32 s18, $0x2  }
0x13: {  	[tilespmem:s18+$0x2800] =	vst v0  }
0x14: {  	[spmem:s4] =	stream.linear.scatter [tilespmem:s12], [sflag:$0x1], $0x4000, $0x38;
	[tilespmem:$0x8F80] =	vst v63  }
0x15: {  	_ =	swait.ge [sflag:s13], $0x4000  }
0x16: {  	[sflag:s13] =	ssyncset.done $0x0  }
0x17: {  	[sflag:s13] =	ssyncadd.s32 $0xFFFFC000  }
0x18: {  	[spmem:s9] =	stream.linear.scatter [tilespmem:s12], [sflag:$0x1], $0x4000, $0x38;
	[tilespmem:$0x8F80] =	vst v63  }
0x19: {  	_ =	swait.ge [sflag:s13], $0x4000  }
0x1a: {  	[sflag:s13] =	ssyncset.done $0x0  }
0x1b: {  	[sflag:s13] =	ssyncadd.s32 $0xFFFFC000  }
0x1c: {  	[spmem:s10] =	stream.linear.scatter [tilespmem:s12], [sflag:$0x1], $0x4000, $0x38;
	[tilespmem:$0x8F80] =	vst v63  }
0x1d: {  	_ =	swait.ge [sflag:s13], $0x4000  }
0x1e: {  	[sflag:s13] =	ssyncset.done $0x0  }
0x1f: {  	[sflag:s13] =	ssyncadd.s32 $0xFFFFC000  }
0x20: {  	[spmem:s11] =	stream.linear.scatter [tilespmem:s12], [sflag:$0x1], $0x4000, $0x38;
	[tilespmem:$0x8F80] =	vst v63  }
0x21: {  	_ =	swait.ge [sflag:s13], $0x4000  }
0x22: {  	[sflag:s13] =	ssyncset.done $0x0  }
0x23: {  	[sflag:s13] =	ssyncadd.s32 $0xFFFFC000  }
0x24: {  	[spmem:s5] =	stream.linear.scatter [tilespmem:s12], [sflag:$0x1], $0x3C00, $0x38;
	[tilespmem:$0x8F80] =	vst v63  }
0x25: {  	_ =	swait.ge [sflag:s13], $0x3C00  }
0x26: {  	[sflag:s13] =	ssyncset.done $0x0  }
0x27: {  	s17 =	simm.s32 $0x0;
	[sflag:s13] =	ssyncadd.s32 $0xFFFFC400  }
0x28: {  	[tilespmem:s17], [sflag:$0x1] =	stream.linear.gather [hbm4b:s6+s17], $0x2780, $0x38;
	[tilespmem:$0x8F80] =	vst v63  }
0x29: {  	_ =	swait.ge [sflag:s13], $0x2780  }
0x2a: {  	[sflag:s13] =	ssyncset.done $0x0  }
0x2b: {  	s18 =	simm.s32 $0x0;
	s17 =	simm.s32 $0x200;
	[sflag:s13] =	ssyncadd.s32 $0xFFFFD880  }
.LBB2_4:
0x2c: {  	p0 =	sne.s32 s17, $0xFE00;
	[tilespmem:s18+$0x2800] =	vst v1;
	s18 =	smov.u32 s17;
	s17 =	sadd.s32 $0x200, s17  }
.Ltmp1:
0x2d: {  	(pc) =	sbr.rel @p0 .LBB2_4-.Ltmp1, $2  }
0x2e: {  	_ =	sdelay $0x2  }
0x2f: {  	s18 =	sshra.s32 s18, $0x2  }
0x30: {  	[tilespmem:s18+$0x2800] =	vst v1  }
0x31: {  	s17 =	simm.s32 $0x0;
	[bflag:$0x0] =	sbarrier.arrive $0xFFFF  }
0x32: {  	[spmem:s2] =	stream.indirect.scatter.add.f32 [tilespmem:s12], [sflag:$0x1], $0x10, s17, s14, $0xb8;
	[tilespmem:$0x8F80] =	vst v63  }
0x33: {  	_ =	swait.ge [sflag:s13], $0x800  }
0x34: {  	s17 =	simm.s32 $0x200;
	[sflag:s13] =	ssyncset.done $0x0  }
.LBB2_6:
0x35: {  	s18 =	sshra.s32 s17, $0x2;
	[sflag:s13] =	ssyncadd.s32 $0xFFFFF800;
	p0 =	sne.s32 s17, $0x9C00  }
0x36: {  	[spmem:s2] =	stream.indirect.scatter.add.f32 [tilespmem:s12], [sflag:$0x1], $0x10, s18, s14, $0xb8;
	[tilespmem:$0x8F80] =	vst v63  }
.Ltmp2:
0x37: {  	_ = 	snop;
	(pc) =	sbr.rel @p0 .LBB2_6-.Ltmp2, $4  }
0x38: {  	_ = 	snop  }
0x39: {  	s17 =	sadd.s32 $0x200, s17  }
0x3a: {  	_ =	swait.ge [sflag:s13], $0x800  }
0x3b: {  	[sflag:s13] =	ssyncset.done $0x0  }
0x3c: {  	s3 =	sadd.s32 $0x1, s3  }
0x3d: {  	[sflag:s13] =	ssyncadd.s32 $0xFFFFF800;
	p0 =	sne.s32 s3, s8  }
.Ltmp3:
0x3e: {  	[bflag:$0x0] =	sbarrier.arrive $0xFFFF;
	(pc) =	sbr.rel @p0 .LBB2_1-.Ltmp3, $4  }
0x3f: {  	[hbm:s7], [sflag:s15] =	dma.local [spmem:s16], $0x2780  }
0x40: {  	_ =	swait.ge [sflag:s13], $0x2780  }
0x41: {  	[sflag:s13] =	ssyncset.done $0x0  }
0x42: {  	[sflag:s13] =	ssyncadd.s32 $0xFFFFD880  }
0x43: {  	_ =	sfence.sel $0x180000  }
0x44: {  	[bflag:$0x0] =	sbarrier.arrive $0xFFFF  }
0x45: {  	p0 =	sne.s32 s0, $0x0;
	_ =	strace $0x90000047  }
0x46: {  	s0 =	sadd.s32 @!p0 $0x100000, s1;
	[bflag:$0x2] =	sbarrier.arrive $0xFFFF  }
0x47: {  	[sflag:s0] =	ssyncadd.tile.s32 @!p0 $0x1;
	_ =	shalt  }
.Lfunc_end2:
_tile_overlayer_lowered:
.L_overlay_start_2:
0x48: {  	(tag) =	ssettag $0x2  }
0x49: {  	s0 =	rddreg [dreg:$0x0];
	s2 =	stileid.u32  }
0x4a: {  	s1 =	rddreg [dreg:$0x1];
	p0 =	sne.s32 s2, $0x0  }
0x4b: {  	s3 =	rddreg [dreg:$0x2];
	[bflag:$0x3] =	sbarrier.arrive $0xFFFF;
	s2 =	simm.s32 @!p0 $0x1C01  }
0x4c: {  	[timem:s3], [sflag:s2] =	dma.local @!p0 [hbm:s0], s1  }
0x4d: {  	s0 =	simm.s32 @!p0 $0x1  }
0x4e: {  	_ =	swait.ge @!p0 [sflag:s0], s1  }
0x4f: {  	s1 =	ssub.s32 @!p0 $0x0, s1;
	[sflag:s0] =	ssyncset.done @!p0 $0x0  }
0x50: {  	[sflag:s0] =	ssyncadd.s32 @!p0 s1  }
0x51: {  	[bflag:$0x3] =	sbarrier.arrive $0xFFFF  }
0x52: {  	_ =	shalt  }

</sc_bundles>
